<compile_context>
chip_gen: v7x
topology: tpu7x:2x2x1
jax: 0.10.2.dev20260603
libtpu: 0.0.44.dev20260713+nightly
codegen_flags: <defaults>
</compile_context>

<pallas_src>
import jax
import jax.numpy as jnp
from jax import lax
from jax.experimental import pallas as pl
from jax.experimental.pallas import tpu as pltpu
from jax.experimental.pallas import tpu_sc as plsc

EMBED = 128
NSQ = 64
NCOMB = NSQ * NSQ
LANES = 16
CHUNK = 128
NBUF = 5


def _make_sc_lookup(bl):
    info = plsc.get_sparse_core_info()
    n_workers = info.num_cores * info.num_subcores
    tpw = bl // n_workers
    assert tpw % CHUNK == 0
    n_chunks = tpw // CHUNK
    assert n_chunks >= 4 * NBUF
    rows_per_tile = NCOMB // 16

    mesh = plsc.VectorSubcoreMesh(core_axis_name="c", subcore_axis_name="s")

    def body(idx_hbm, w1_hbm, w2_hbm, out_hbm,
             idxc_v, rows_v, sem_i, sem_g, sem_s, wsum):
        cid = lax.axis_index("c")
        sid = lax.axis_index("s")
        wid = sid * info.num_cores + cid

        pltpu.sync_copy(w1_hbm, rows_v[0].at[pl.ds(0, NSQ)])
        pltpu.sync_copy(w2_hbm, rows_v[0].at[pl.ds(NSQ, NSQ)])

        for h in range(rows_per_tile // CHUNK):

            def build_row(r, carry):
                row = sid * rows_per_tile + h * CHUNK + r
                a = row // NSQ
                b = lax.rem(row, NSQ)
                for k in range(EMBED // LANES):
                    v = (rows_v[0][a, pl.ds(k * LANES, LANES)]
                         + rows_v[0][NSQ + b, pl.ds(k * LANES, LANES)])
                    rows_v[1][r, pl.ds(k * LANES, LANES)] = v
                return carry

            lax.fori_loop(0, CHUNK, build_row, 0)
            pltpu.sync_copy(
                rows_v[1],
                wsum.at[pl.ds(sid * rows_per_tile + h * CHUNK, CHUNK)])
        plsc.subcore_barrier()

        base0 = wid * tpw

        def fire_idx(g, s):
            base = base0 + g * CHUNK
            pltpu.async_copy(idx_hbm.at[pl.ds(base, CHUNK)], idxc_v[s], sem_i[s])

        def wait_idx(s):
            pltpu.make_async_copy(idx_hbm.at[pl.ds(0, CHUNK)], idxc_v[s],
                                  sem_i[s]).wait()

        def fire_gather(s):
            pltpu.async_copy(wsum.at[idxc_v[s]], rows_v[s], sem_g[s])

        def wait_gather(s):
            pltpu.make_async_copy(wsum.at[idxc_v[s]], rows_v[s],
                                  sem_g[s]).wait()

        def fire_store(g, s):
            base = base0 + g * CHUNK
            pltpu.async_copy(rows_v[s], out_hbm.at[pl.ds(base, CHUNK)], sem_s[s])

        def wait_store(s):
            pltpu.make_async_copy(rows_v[s], out_hbm.at[pl.ds(0, CHUNK)],
                                  sem_s[s]).wait()

        def do_chunk(g, r0, *, ws=True, fire_next=True, idx2ahead=True):
            b0 = r0 % NBUF
            b1 = (r0 + 1) % NBUF
            b2 = (r0 + 2) % NBUF
            if fire_next:
                wait_idx(b1)
                if ws:
                    wait_store(b1)
                fire_gather(b1)
            wait_gather(b0)
            fire_store(g, b0)
            if idx2ahead:
                fire_idx(g + 2, b2)

        head = NBUF - 1
        tail = (n_chunks - head) % NBUF + NBUF
        loop_n = (n_chunks - head - tail) // NBUF
        assert loop_n >= 1

        fire_idx(0, 0)
        fire_idx(1, 1)
        wait_idx(0)
        fire_gather(0)
        for g in range(head):
            do_chunk(g, g % NBUF, ws=False)

        def step(p, carry):
            g = NBUF * p + head
            for r in range(NBUF):
                do_chunk(g + r, (head + r) % NBUF)
            return carry

        lax.fori_loop(0, loop_n, step, 0)
        for t in range(tail):
            g = n_chunks - tail + t
            do_chunk(g, g % NBUF,
                     fire_next=(g + 1 <= n_chunks - 1),
                     idx2ahead=(g + 2 <= n_chunks - 1))
        for s in range(NBUF):
            wait_store(s)

    return pl.kernel(
        body,
        out_type=jax.ShapeDtypeStruct((bl, EMBED), jnp.float32),
        mesh=mesh,
        scratch_types=[
            [pltpu.VMEM((CHUNK,), jnp.int32) for _ in range(NBUF)],
            [pltpu.VMEM((CHUNK, EMBED), jnp.float32) for _ in range(NBUF)],
            [pltpu.SemaphoreType.DMA for _ in range(NBUF)],
            [pltpu.SemaphoreType.DMA for _ in range(NBUF)],
            [pltpu.SemaphoreType.DMA for _ in range(NBUF)],
            pltpu.VMEM_SHARED((NCOMB, EMBED), jnp.float32),
        ],
    )


def kernel(initial_position_indexes, destination_indexes, W_initial, W_destination):
    b, l = initial_position_indexes.shape
    bl = b * l
    idx = (initial_position_indexes.astype(jnp.int32) * NSQ
           + destination_indexes.astype(jnp.int32)).reshape(bl)
    out = _make_sc_lookup(bl)(idx, W_initial, W_destination)
    return out.reshape(b, l, EMBED)

# --- scband reference (transcript-rebuilt; emitter-appended) ---
"""Pipeline reference for scband-chess-former-decoder-embedding-5394478924329 (READ-ONLY COPY).

The authoritative reference and input builder live on the scoring server;
editing this copy changes nothing except your own understanding.
"""

import jax, jax.numpy as jnp
import numpy as np

EMBED_DIM = 128
NUM_SQUARES = 64
B, L = 16384, 200


def setup_inputs(seed: int = 0) -> dict:
    key = jax.random.key(seed)
    k1, k2, k3, k4 = jax.random.split(key, 4)
    initial_position_indexes = jax.random.randint(k1, (B, L), 0, NUM_SQUARES, dtype=jnp.int64 if jax.config.jax_enable_x64 else jnp.int32)
    destination_indexes = jax.random.randint(k2, (B, L), 0, NUM_SQUARES, dtype=jnp.int64 if jax.config.jax_enable_x64 else jnp.int32)
    # nn.Embedding default init: N(0, 1)
    W_initial = jax.random.normal(k3, (NUM_SQUARES, EMBED_DIM), dtype=jnp.float32)
    W_destination = jax.random.normal(k4, (NUM_SQUARES, EMBED_DIM), dtype=jnp.float32)
    return {
        "initial_position_indexes": initial_position_indexes,
        "destination_indexes": destination_indexes,
        "W_initial": W_initial,
        "W_destination": W_destination,
    }


def reference(initial_position_indexes, destination_indexes, W_initial, W_destination):
    init_emb = jnp.take(W_initial, initial_position_indexes, axis=0)
    dest_emb = jnp.take(W_destination, destination_indexes, axis=0)
    return init_emb + dest_emb

if __name__ == "__main__":
    import jax
    _d = setup_inputs()
    print(jax.jit(kernel)(*tuple(_d.values())))

</pallas_src>

<mosaic_0001>
#map = affine_map<(d0, d1) -> (0)>
#map1 = affine_map<(d0, d1) -> (0, 0)>
module attributes {stable_mosaic.version = 14 : i64} {
  func.func @body(%arg0: i32, %arg1: i32, %arg2: memref<3276800xi32, #tpu.memory_space<hbm>>, %arg3: memref<64x128xf32, #tpu.memory_space<hbm>>, %arg4: memref<64x128xf32, #tpu.memory_space<hbm>>, %arg5: memref<3276800x128xf32, #tpu.memory_space<hbm>>, %arg6: memref<128xi32, #tpu.memory_space<vmem>>, %arg7: memref<128xi32, #tpu.memory_space<vmem>>, %arg8: memref<128xi32, #tpu.memory_space<vmem>>, %arg9: memref<128xi32, #tpu.memory_space<vmem>>, %arg10: memref<128xi32, #tpu.memory_space<vmem>>, %arg11: memref<128x128xf32, #tpu.memory_space<vmem>>, %arg12: memref<128x128xf32, #tpu.memory_space<vmem>>, %arg13: memref<128x128xf32, #tpu.memory_space<vmem>>, %arg14: memref<128x128xf32, #tpu.memory_space<vmem>>, %arg15: memref<128x128xf32, #tpu.memory_space<vmem>>, %arg16: memref<!tpu.dma_semaphore, #tpu.memory_space<semaphore_mem>>, %arg17: memref<!tpu.dma_semaphore, #tpu.memory_space<semaphore_mem>>, %arg18: memref<!tpu.dma_semaphore, #tpu.memory_space<semaphore_mem>>, %arg19: memref<!tpu.dma_semaphore, #tpu.memory_space<semaphore_mem>>, %arg20: memref<!tpu.dma_semaphore, #tpu.memory_space<semaphore_mem>>, %arg21: memref<!tpu.dma_semaphore, #tpu.memory_space<semaphore_mem>>, %arg22: memref<!tpu.dma_semaphore, #tpu.memory_space<semaphore_mem>>, %arg23: memref<!tpu.dma_semaphore, #tpu.memory_space<semaphore_mem>>, %arg24: memref<!tpu.dma_semaphore, #tpu.memory_space<semaphore_mem>>, %arg25: memref<!tpu.dma_semaphore, #tpu.memory_space<semaphore_mem>>, %arg26: memref<!tpu.dma_semaphore, #tpu.memory_space<semaphore_mem>>, %arg27: memref<!tpu.dma_semaphore, #tpu.memory_space<semaphore_mem>>, %arg28: memref<!tpu.dma_semaphore, #tpu.memory_space<semaphore_mem>>, %arg29: memref<!tpu.dma_semaphore, #tpu.memory_space<semaphore_mem>>, %arg30: memref<!tpu.dma_semaphore, #tpu.memory_space<semaphore_mem>>, %arg31: memref<4096x128xf32, #tpu.memory_space<vmem_shared>>) attributes {dimension_semantics = [#tpu.dimension_semantics<core_parallel>, #tpu.dimension_semantics<subcore_parallel>], iteration_bounds = array<i64: 2, 16>, scalar_prefetch = 0 : i64, scratch_operands = 26 : i64, tpu.core_type = #tpu.core_type<sc_vector_subcore>, window_params = [{transform_indices = #map}, {transform_indices = #map1}, {transform_indices = #map1}, {transform_indices = #map1}]} {
    %mul3A = arith.constant 2 : i32
    %mul3A_0 = arith.muli %arg1, %mul3A : i32
    %add3A = arith.addi %mul3A_0, %arg0 : i32
    "tpu.region"() ({
      %run_scoped3A = tpu.sem_alloc : memref<!tpu.dma_semaphore, #tpu.memory_space<semaphore_mem>>
      %dma_start3A_286 = arith.constant 0 : i32
      %dma_start3A_287 = arith.constant 0 : i32
      %dma_start3A_288 = tpu.memref_slice %arg11[%dma_start3A_286, %dma_start3A_287] : memref<128x128xf32, #tpu.memory_space<vmem>> -> memref<64x128xf32, #tpu.memory_space<vmem>>
      %dma_start3A_289 = arith.constant 0 : i32
      %dma_start3A_290 = arith.constant 0 : i32
      %dma_start3A_291 = tpu.memref_slice %arg11[%dma_start3A_289, %dma_start3A_290] : memref<128x128xf32, #tpu.memory_space<vmem>> -> memref<64x128xf32, #tpu.memory_space<vmem>>
      tpu.enqueue_dma source(%arg3 : memref<64x128xf32, #tpu.memory_space<hbm>>) target(%dma_start3A_291 : memref<64x128xf32, #tpu.memory_space<vmem>>) target_semaphore(%run_scoped3A : memref<!tpu.dma_semaphore, #tpu.memory_space<semaphore_mem>>)
      %dma_wait3A_292 = arith.constant 0 : i32
      %dma_wait3A_293 = arith.constant 0 : i32
      %dma_wait3A_294 = tpu.memref_slice %arg11[%dma_wait3A_292, %dma_wait3A_293] : memref<128x128xf32, #tpu.memory_space<vmem>> -> memref<64x128xf32, #tpu.memory_space<vmem>>
      %dma_wait3A_295 = arith.constant 0 : i32
      %dma_wait3A_296 = arith.constant 0 : i32
      %dma_wait3A_297 = tpu.memref_slice %arg11[%dma_wait3A_295, %dma_wait3A_296] : memref<128x128xf32, #tpu.memory_space<vmem>> -> memref<64x128xf32, #tpu.memory_space<vmem>>
      tpu.wait_dma2 semaphore(%run_scoped3A : memref<!tpu.dma_semaphore, #tpu.memory_space<semaphore_mem>>) src(%arg3 : memref<64x128xf32, #tpu.memory_space<hbm>>) dst(%dma_wait3A_297 : memref<64x128xf32, #tpu.memory_space<vmem>>)
      tpu.yield
    }) : () -> ()
    "tpu.region"() ({
      %run_scoped3A = tpu.sem_alloc : memref<!tpu.dma_semaphore, #tpu.memory_space<semaphore_mem>>
      %dma_start3A_286 = arith.constant 64 : i32
      %dma_start3A_287 = arith.constant 0 : i32
      %dma_start3A_288 = tpu.memref_slice %arg11[%dma_start3A_286, %dma_start3A_287] : memref<128x128xf32, #tpu.memory_space<vmem>> -> memref<64x128xf32, #tpu.memory_space<vmem>>
      %dma_start3A_289 = arith.constant 64 : i32
      %dma_start3A_290 = arith.constant 0 : i32
      %dma_start3A_291 = tpu.memref_slice %arg11[%dma_start3A_289, %dma_start3A_290] : memref<128x128xf32, #tpu.memory_space<vmem>> -> memref<64x128xf32, #tpu.memory_space<vmem>>
      tpu.enqueue_dma source(%arg4 : memref<64x128xf32, #tpu.memory_space<hbm>>) target(%dma_start3A_291 : memref<64x128xf32, #tpu.memory_space<vmem>>) target_semaphore(%run_scoped3A : memref<!tpu.dma_semaphore, #tpu.memory_space<semaphore_mem>>)
      %dma_wait3A_292 = arith.constant 64 : i32
      %dma_wait3A_293 = arith.constant 0 : i32
      %dma_wait3A_294 = tpu.memref_slice %arg11[%dma_wait3A_292, %dma_wait3A_293] : memref<128x128xf32, #tpu.memory_space<vmem>> -> memref<64x128xf32, #tpu.memory_space<vmem>>
      %dma_wait3A_295 = arith.constant 64 : i32
      %dma_wait3A_296 = arith.constant 0 : i32
      %dma_wait3A_297 = tpu.memref_slice %arg11[%dma_wait3A_295, %dma_wait3A_296] : memref<128x128xf32, #tpu.memory_space<vmem>> -> memref<64x128xf32, #tpu.memory_space<vmem>>
      tpu.wait_dma2 semaphore(%run_scoped3A : memref<!tpu.dma_semaphore, #tpu.memory_space<semaphore_mem>>) src(%arg4 : memref<64x128xf32, #tpu.memory_space<hbm>>) dst(%dma_wait3A_297 : memref<64x128xf32, #tpu.memory_space<vmem>>)
      tpu.yield
    }) : () -> ()
    %scan3A = arith.constant 0 : i32
    %scan3A_1 = arith.constant 0 : i32
    %scan3A_2 = arith.constant 128 : i32
    %scan3A_3 = arith.addi %scan3A_1, %scan3A_2 : i32
    %scan3A_4 = arith.constant 1 : i32
    scf.for %scan3A_286 = %scan3A_1 to %scan3A_3 step %scan3A_4  : i32 {
      %mul3A_287 = arith.constant 256 : i32
      %mul3A_288 = arith.muli %arg1, %mul3A_287 : i32
      %add3A_289 = arith.constant 0 : i32
      %add3A_290 = arith.addi %mul3A_288, %add3A_289 : i32
      %add3A_291 = arith.addi %add3A_290, %scan3A_286 : i32
      %jit3A = arith.constant 64 : i32
      %div3A = arith.divsi %add3A_291, %jit3A : i32
      %sign3A = arith.constant 0 : i32
      %sign3A_292 = arith.cmpi sgt, %add3A_291, %sign3A : i32
      %sign3A_293 = arith.extui %sign3A_292 : i1 to i32
      %sign3A_294 = arith.constant 0 : i32
      %sign3A_295 = arith.cmpi slt, %add3A_291, %sign3A_294 : i32
      %sign3A_296 = arith.extui %sign3A_295 : i1 to i32
      %sign3A_297 = arith.subi %sign3A_293, %sign3A_296 : i32
      %sign3A_298 = arith.constant 0 : i32
      %sign3A_299 = arith.cmpi sgt, %jit3A, %sign3A_298 : i32
      %sign3A_300 = arith.extui %sign3A_299 : i1 to i32
      %sign3A_301 = arith.constant 0 : i32
      %sign3A_302 = arith.cmpi slt, %jit3A, %sign3A_301 : i32
      %sign3A_303 = arith.extui %sign3A_302 : i1 to i32
      %sign3A_304 = arith.subi %sign3A_300, %sign3A_303 : i32
      %ne3A = arith.cmpi ne, %sign3A_297, %sign3A_304 : i32
      %rem3A = arith.remsi %add3A_291, %jit3A : i32
      %ne3A_305 = arith.constant 0 : i32
      %ne3A_306 = arith.cmpi ne, %rem3A, %ne3A_305 : i32
      %and3A = arith.andi %ne3A, %ne3A_306 : i1
      %sub3A = arith.constant 1 : i32
      %sub3A_307 = arith.subi %div3A, %sub3A : i32
      %select_n3A = arith.select %and3A, %sub3A_307, %div3A : i32
      %rem3A_308 = arith.constant 64 : i32
      %rem3A_309 = arith.remsi %add3A_291, %rem3A_308 : i32
      %get3A = arith.index_cast %select_n3A : i32 to index
      %get3A_310 = arith.constant 0 : index
      %get3A_311 = tpu.vector_load %arg11[%get3A, %get3A_310] {strides = array<i32>} : memref<128x128xf32, #tpu.memory_space<vmem>>, vector<1x16xf32>,
      %get3A_312 = vector.shape_cast %get3A_311 : vector<1x16xf32> to vector<16xf32>
      %add3A_313 = arith.constant 64 : i32
      %add3A_314 = arith.addi %add3A_313, %rem3A_309 : i32
      %get3A_315 = arith.index_cast %add3A_314 : i32 to index
      %get3A_316 = arith.constant 0 : index
      %get3A_317 = tpu.vector_load %arg11[%get3A_315, %get3A_316] {strides = array<i32>} : memref<128x128xf32, #tpu.memory_space<vmem>>, vector<1x16xf32>,
      %get3A_318 = vector.shape_cast %get3A_317 : vector<1x16xf32> to vector<16xf32>
      %add3A_319 = arith.addf %get3A_312, %get3A_318 : vector<16xf32>
      %swap3A = arith.index_cast %scan3A_286 : i32 to index
      %swap3A_320 = arith.constant 0 : index
      %swap3A_321 = tpu.vector_load %arg12[%swap3A, %swap3A_320] {strides = array<i32>} : memref<128x128xf32, #tpu.memory_space<vmem>>, vector<1x16xf32>,
      %swap3A_322 = vector.shape_cast %swap3A_321 : vector<1x16xf32> to vector<16xf32>
      %swap3A_323 = vector.shape_cast %add3A_319 : vector<16xf32> to vector<1x16xf32>
      tpu.vector_store %arg12[%swap3A, %swap3A_320], %swap3A_323 {strides = array<i32>} : memref<128x128xf32, #tpu.memory_space<vmem>>, vector<1x16xf32>,
      %get3A_324 = arith.index_cast %select_n3A : i32 to index
      %get3A_325 = arith.constant 16 : index
      %get3A_326 = tpu.vector_load %arg11[%get3A_324, %get3A_325] {strides = array<i32>} : memref<128x128xf32, #tpu.memory_space<vmem>>, vector<1x16xf32>,
      %get3A_327 = vector.shape_cast %get3A_326 : vector<1x16xf32> to vector<16xf32>
      %add3A_328 = arith.constant 64 : i32
      %add3A_329 = arith.addi %add3A_328, %rem3A_309 : i32
      %get3A_330 = arith.index_cast %add3A_329 : i32 to index
      %get3A_331 = arith.constant 16 : index
      %get3A_332 = tpu.vector_load %arg11[%get3A_330, %get3A_331] {strides = array<i32>} : memref<128x128xf32, #tpu.memory_space<vmem>>, vector<1x16xf32>,
      %get3A_333 = vector.shape_cast %get3A_332 : vector<1x16xf32> to vector<16xf32>
      %add3A_334 = arith.addf %get3A_327, %get3A_333 : vector<16xf32>
      %swap3A_335 = arith.index_cast %scan3A_286 : i32 to index
      %swap3A_336 = arith.constant 16 : index
      %swap3A_337 = tpu.vector_load %arg12[%swap3A_335, %swap3A_336] {strides = array<i32>} : memref<128x128xf32, #tpu.memory_space<vmem>>, vector<1x16xf32>,
      %swap3A_338 = vector.shape_cast %swap3A_337 : vector<1x16xf32> to vector<16xf32>
      %swap3A_339 = vector.shape_cast %add3A_334 : vector<16xf32> to vector<1x16xf32>
      tpu.vector_store %arg12[%swap3A_335, %swap3A_336], %swap3A_339 {strides = array<i32>} : memref<128x128xf32, #tpu.memory_space<vmem>>, vector<1x16xf32>,
      %get3A_340 = arith.index_cast %select_n3A : i32 to index
      %get3A_341 = arith.constant 32 : index
      %get3A_342 = tpu.vector_load %arg11[%get3A_340, %get3A_341] {strides = array<i32>} : memref<128x128xf32, #tpu.memory_space<vmem>>, vector<1x16xf32>,
      %get3A_343 = vector.shape_cast %get3A_342 : vector<1x16xf32> to vector<16xf32>
      %add3A_344 = arith.constant 64 : i32
      %add3A_345 = arith.addi %add3A_344, %rem3A_309 : i32
      %get3A_346 = arith.index_cast %add3A_345 : i32 to index
      %get3A_347 = arith.constant 32 : index
      %get3A_348 = tpu.vector_load %arg11[%get3A_346, %get3A_347] {strides = array<i32>} : memref<128x128xf32, #tpu.memory_space<vmem>>, vector<1x16xf32>,
      %get3A_349 = vector.shape_cast %get3A_348 : vector<1x16xf32> to vector<16xf32>
      %add3A_350 = arith.addf %get3A_343, %get3A_349 : vector<16xf32>
      %swap3A_351 = arith.index_cast %scan3A_286 : i32 to index
      %swap3A_352 = arith.constant 32 : index
      %swap3A_353 = tpu.vector_load %arg12[%swap3A_351, %swap3A_352] {strides = array<i32>} : memref<128x128xf32, #tpu.memory_space<vmem>>, vector<1x16xf32>,
      %swap3A_354 = vector.shape_cast %swap3A_353 : vector<1x16xf32> to vector<16xf32>
      %swap3A_355 = vector.shape_cast %add3A_350 : vector<16xf32> to vector<1x16xf32>
      tpu.vector_store %arg12[%swap3A_351, %swap3A_352], %swap3A_355 {strides = array<i32>} : memref<128x128xf32, #tpu.memory_space<vmem>>, vector<1x16xf32>,
      %get3A_356 = arith.index_cast %select_n3A : i32 to index
      %get3A_357 = arith.constant 48 : index
      %get3A_358 = tpu.vector_load %arg11[%get3A_356, %get3A_357] {strides = array<i32>} : memref<128x128xf32, #tpu.memory_space<vmem>>, vector<1x16xf32>,
      %get3A_359 = vector.shape_cast %get3A_358 : vector<1x16xf32> to vector<16xf32>
      %add3A_360 = arith.constant 64 : i32
      %add3A_361 = arith.addi %add3A_360, %rem3A_309 : i32
      %get3A_362 = arith.index_cast %add3A_361 : i32 to index
      %get3A_363 = arith.constant 48 : index
      %get3A_364 = tpu.vector_load %arg11[%get3A_362, %get3A_363] {strides = array<i32>} : memref<128x128xf32, #tpu.memory_space<vmem>>, vector<1x16xf32>,
      %get3A_365 = vector.shape_cast %get3A_364 : vector<1x16xf32> to vector<16xf32>
      %add3A_366 = arith.addf %get3A_359, %get3A_365 : vector<16xf32>
      %swap3A_367 = arith.index_cast %scan3A_286 : i32 to index
      %swap3A_368 = arith.constant 48 : index
      %swap3A_369 = tpu.vector_load %arg12[%swap3A_367, %swap3A_368] {strides = array<i32>} : memref<128x128xf32, #tpu.memory_space<vmem>>, vector<1x16xf32>,
      %swap3A_370 = vector.shape_cast %swap3A_369 : vector<1x16xf32> to vector<16xf32>
      %swap3A_371 = vector.shape_cast %add3A_366 : vector<16xf32> to vector<1x16xf32>
      tpu.vector_store %arg12[%swap3A_367, %swap3A_368], %swap3A_371 {strides = array<i32>} : memref<128x128xf32, #tpu.memory_space<vmem>>, vector<1x16xf32>,
      %get3A_372 = arith.index_cast %select_n3A : i32 to index
      %get3A_373 = arith.constant 64 : index
      %get3A_374 = tpu.vector_load %arg11[%get3A_372, %get3A_373] {strides = array<i32>} : memref<128x128xf32, #tpu.memory_space<vmem>>, vector<1x16xf32>,
      %get3A_375 = vector.shape_cast %get3A_374 : vector<1x16xf32> to vector<16xf32>
      %add3A_376 = arith.constant 64 : i32
      %add3A_377 = arith.addi %add3A_376, %rem3A_309 : i32
      %get3A_378 = arith.index_cast %add3A_377 : i32 to index
      %get3A_379 = arith.constant 64 : index
      %get3A_380 = tpu.vector_load %arg11[%get3A_378, %get3A_379] {strides = array<i32>} : memref<128x128xf32, #tpu.memory_space<vmem>>, vector<1x16xf32>,
      %get3A_381 = vector.shape_cast %get3A_380 : vector<1x16xf32> to vector<16xf32>
      %add3A_382 = arith.addf %get3A_375, %get3A_381 : vector<16xf32>
      %swap3A_383 = arith.index_cast %scan3A_286 : i32 to index
      %swap3A_384 = arith.constant 64 : index
      %swap3A_385 = tpu.vector_load %arg12[%swap3A_383, %swap3A_384] {strides = array<i32>} : memref<128x128xf32, #tpu.memory_space<vmem>>, vector<1x16xf32>,
      %swap3A_386 = vector.shape_cast %swap3A_385 : vector<1x16xf32> to vector<16xf32>
      %swap3A_387 = vector.shape_cast %add3A_382 : vector<16xf32> to vector<1x16xf32>
      tpu.vector_store %arg12[%swap3A_383, %swap3A_384], %swap3A_387 {strides = array<i32>} : memref<128x128xf32, #tpu.memory_space<vmem>>, vector<1x16xf32>,
      %get3A_388 = arith.index_cast %select_n3A : i32 to index
      %get3A_389 = arith.constant 80 : index
      %get3A_390 = tpu.vector_load %arg11[%get3A_388, %get3A_389] {strides = array<i32>} : memref<128x128xf32, #tpu.memory_space<vmem>>, vector<1x16xf32>,
      %get3A_391 = vector.shape_cast %get3A_390 : vector<1x16xf32> to vector<16xf32>
      %add3A_392 = arith.constant 64 : i32
      %add3A_393 = arith.addi %add3A_392, %rem3A_309 : i32
      %get3A_394 = arith.index_cast %add3A_393 : i32 to index
      %get3A_395 = arith.constant 80 : index
      %get3A_396 = tpu.vector_load %arg11[%get3A_394, %get3A_395] {strides = array<i32>} : memref<128x128xf32, #tpu.memory_space<vmem>>, vector<1x16xf32>,
      %get3A_397 = vector.shape_cast %get3A_396 : vector<1x16xf32> to vector<16xf32>
      %add3A_398 = arith.addf %get3A_391, %get3A_397 : vector<16xf32>
      %swap3A_399 = arith.index_cast %scan3A_286 : i32 to index
      %swap3A_400 = arith.constant 80 : index
      %swap3A_401 = tpu.vector_load %arg12[%swap3A_399, %swap3A_400] {strides = array<i32>} : memref<128x128xf32, #tpu.memory_space<vmem>>, vector<1x16xf32>,
      %swap3A_402 = vector.shape_cast %swap3A_401 : vector<1x16xf32> to vector<16xf32>
      %swap3A_403 = vector.shape_cast %add3A_398 : vector<16xf32> to vector<1x16xf32>
      tpu.vector_store %arg12[%swap3A_399, %swap3A_400], %swap3A_403 {strides = array<i32>} : memref<128x128xf32, #tpu.memory_space<vmem>>, vector<1x16xf32>,
      %get3A_404 = arith.index_cast %select_n3A : i32 to index
      %get3A_405 = arith.constant 96 : index
      %get3A_406 = tpu.vector_load %arg11[%get3A_404, %get3A_405] {strides = array<i32>} : memref<128x128xf32, #tpu.memory_space<vmem>>, vector<1x16xf32>,
      %get3A_407 = vector.shape_cast %get3A_406 : vector<1x16xf32> to vector<16xf32>
      %add3A_408 = arith.constant 64 : i32
      %add3A_409 = arith.addi %add3A_408, %rem3A_309 : i32
      %get3A_410 = arith.index_cast %add3A_409 : i32 to index
      %get3A_411 = arith.constant 96 : index
      %get3A_412 = tpu.vector_load %arg11[%get3A_410, %get3A_411] {strides = array<i32>} : memref<128x128xf32, #tpu.memory_space<vmem>>, vector<1x16xf32>,
      %get3A_413 = vector.shape_cast %get3A_412 : vector<1x16xf32> to vector<16xf32>
      %add3A_414 = arith.addf %get3A_407, %get3A_413 : vector<16xf32>
      %swap3A_415 = arith.index_cast %scan3A_286 : i32 to index
      %swap3A_416 = arith.constant 96 : index
      %swap3A_417 = tpu.vector_load %arg12[%swap3A_415, %swap3A_416] {strides = array<i32>} : memref<128x128xf32, #tpu.memory_space<vmem>>, vector<1x16xf32>,
      %swap3A_418 = vector.shape_cast %swap3A_417 : vector<1x16xf32> to vector<16xf32>
      %swap3A_419 = vector.shape_cast %add3A_414 : vector<16xf32> to vector<1x16xf32>
      tpu.vector_store %arg12[%swap3A_415, %swap3A_416], %swap3A_419 {strides = array<i32>} : memref<128x128xf32, #tpu.memory_space<vmem>>, vector<1x16xf32>,
      %get3A_420 = arith.index_cast %select_n3A : i32 to index
      %get3A_421 = arith.constant 112 : index
      %get3A_422 = tpu.vector_load %arg11[%get3A_420, %get3A_421] {strides = array<i32>} : memref<128x128xf32, #tpu.memory_space<vmem>>, vector<1x16xf32>,
      %get3A_423 = vector.shape_cast %get3A_422 : vector<1x16xf32> to vector<16xf32>
      %add3A_424 = arith.constant 64 : i32
      %add3A_425 = arith.addi %add3A_424, %rem3A_309 : i32
      %get3A_426 = arith.index_cast %add3A_425 : i32 to index
      %get3A_427 = arith.constant 112 : index
      %get3A_428 = tpu.vector_load %arg11[%get3A_426, %get3A_427] {strides = array<i32>} : memref<128x128xf32, #tpu.memory_space<vmem>>, vector<1x16xf32>,
      %get3A_429 = vector.shape_cast %get3A_428 : vector<1x16xf32> to vector<16xf32>
      %add3A_430 = arith.addf %get3A_423, %get3A_429 : vector<16xf32>
      %swap3A_431 = arith.index_cast %scan3A_286 : i32 to index
      %swap3A_432 = arith.constant 112 : index
      %swap3A_433 = tpu.vector_load %arg12[%swap3A_431, %swap3A_432] {strides = array<i32>} : memref<128x128xf32, #tpu.memory_space<vmem>>, vector<1x16xf32>,
      %swap3A_434 = vector.shape_cast %swap3A_433 : vector<1x16xf32> to vector<16xf32>
      %swap3A_435 = vector.shape_cast %add3A_430 : vector<16xf32> to vector<1x16xf32>
      tpu.vector_store %arg12[%swap3A_431, %swap3A_432], %swap3A_435 {strides = array<i32>} : memref<128x128xf32, #tpu.memory_space<vmem>>, vector<1x16xf32>,
    }
    %scan3A_5 = arith.constant 128 : i32
    %mul3A_6 = arith.constant 256 : i32
    %mul3A_7 = arith.muli %arg1, %mul3A_6 : i32
    %add3A_8 = arith.constant 0 : i32
    %add3A_9 = arith.addi %mul3A_7, %add3A_8 : i32
    "tpu.region"() ({
      %run_scoped3A = tpu.sem_alloc : memref<!tpu.dma_semaphore, #tpu.memory_space<semaphore_mem>>
      %dma_start3A_286 = arith.constant 0 : i32
      %dma_start3A_287 = tpu.memref_slice %arg31[%add3A_9, %dma_start3A_286] : memref<4096x128xf32, #tpu.memory_space<vmem_shared>> -> memref<128x128xf32, #tpu.memory_space<vmem_shared>>
      %dma_start3A_288 = arith.constant 0 : i32
      %dma_start3A_289 = tpu.memref_slice %arg31[%add3A_9, %dma_start3A_288] : memref<4096x128xf32, #tpu.memory_space<vmem_shared>> -> memref<128x128xf32, #tpu.memory_space<vmem_shared>>
      tpu.enqueue_dma source(%arg12 : memref<128x128xf32, #tpu.memory_space<vmem>>) target(%dma_start3A_289 : memref<128x128xf32, #tpu.memory_space<vmem_shared>>) target_semaphore(%run_scoped3A : memref<!tpu.dma_semaphore, #tpu.memory_space<semaphore_mem>>)
      %dma_wait3A_290 = arith.constant 0 : i32
      %dma_wait3A_291 = tpu.memref_slice %arg31[%add3A_9, %dma_wait3A_290] : memref<4096x128xf32, #tpu.memory_space<vmem_shared>> -> memref<128x128xf32, #tpu.memory_space<vmem_shared>>
      %dma_wait3A_292 = arith.constant 0 : i32
      %dma_wait3A_293 = tpu.memref_slice %arg31[%add3A_9, %dma_wait3A_292] : memref<4096x128xf32, #tpu.memory_space<vmem_shared>> -> memref<128x128xf32, #tpu.memory_space<vmem_shared>>
      tpu.wait_dma2 semaphore(%run_scoped3A : memref<!tpu.dma_semaphore, #tpu.memory_space<semaphore_mem>>) src(%arg12 : memref<128x128xf32, #tpu.memory_space<vmem>>) dst(%dma_wait3A_293 : memref<128x128xf32, #tpu.memory_space<vmem_shared>>)
      tpu.yield
    }) : () -> ()
    %scan3A_10 = arith.constant 0 : i32
    %scan3A_11 = arith.constant 0 : i32
    %scan3A_12 = arith.constant 128 : i32
    %scan3A_13 = arith.addi %scan3A_11, %scan3A_12 : i32
    %scan3A_14 = arith.constant 1 : i32
    scf.for %scan3A_286 = %scan3A_11 to %scan3A_13 step %scan3A_14  : i32 {
      %mul3A_287 = arith.constant 256 : i32
      %mul3A_288 = arith.muli %arg1, %mul3A_287 : i32
      %add3A_289 = arith.constant 128 : i32
      %add3A_290 = arith.addi %mul3A_288, %add3A_289 : i32
      %add3A_291 = arith.addi %add3A_290, %scan3A_286 : i32
      %jit3A = arith.constant 64 : i32
      %div3A = arith.divsi %add3A_291, %jit3A : i32
      %sign3A = arith.constant 0 : i32
      %sign3A_292 = arith.cmpi sgt, %add3A_291, %sign3A : i32
      %sign3A_293 = arith.extui %sign3A_292 : i1 to i32
      %sign3A_294 = arith.constant 0 : i32
      %sign3A_295 = arith.cmpi slt, %add3A_291, %sign3A_294 : i32
      %sign3A_296 = arith.extui %sign3A_295 : i1 to i32
      %sign3A_297 = arith.subi %sign3A_293, %sign3A_296 : i32
      %sign3A_298 = arith.constant 0 : i32
      %sign3A_299 = arith.cmpi sgt, %jit3A, %sign3A_298 : i32
      %sign3A_300 = arith.extui %sign3A_299 : i1 to i32
      %sign3A_301 = arith.constant 0 : i32
      %sign3A_302 = arith.cmpi slt, %jit3A, %sign3A_301 : i32
      %sign3A_303 = arith.extui %sign3A_302 : i1 to i32
      %sign3A_304 = arith.subi %sign3A_300, %sign3A_303 : i32
      %ne3A = arith.cmpi ne, %sign3A_297, %sign3A_304 : i32
      %rem3A = arith.remsi %add3A_291, %jit3A : i32
      %ne3A_305 = arith.constant 0 : i32
      %ne3A_306 = arith.cmpi ne, %rem3A, %ne3A_305 : i32
      %and3A = arith.andi %ne3A, %ne3A_306 : i1
      %sub3A = arith.constant 1 : i32
      %sub3A_307 = arith.subi %div3A, %sub3A : i32
      %select_n3A = arith.select %and3A, %sub3A_307, %div3A : i32
      %rem3A_308 = arith.constant 64 : i32
      %rem3A_309 = arith.remsi %add3A_291, %rem3A_308 : i32
      %get3A = arith.index_cast %select_n3A : i32 to index
      %get3A_310 = arith.constant 0 : index
      %get3A_311 = tpu.vector_load %arg11[%get3A, %get3A_310] {strides = array<i32>} : memref<128x128xf32, #tpu.memory_space<vmem>>, vector<1x16xf32>,
      %get3A_312 = vector.shape_cast %get3A_311 : vector<1x16xf32> to vector<16xf32>
      %add3A_313 = arith.constant 64 : i32
      %add3A_314 = arith.addi %add3A_313, %rem3A_309 : i32
      %get3A_315 = arith.index_cast %add3A_314 : i32 to index
      %get3A_316 = arith.constant 0 : index
      %get3A_317 = tpu.vector_load %arg11[%get3A_315, %get3A_316] {strides = array<i32>} : memref<128x128xf32, #tpu.memory_space<vmem>>, vector<1x16xf32>,
      %get3A_318 = vector.shape_cast %get3A_317 : vector<1x16xf32> to vector<16xf32>
      %add3A_319 = arith.addf %get3A_312, %get3A_318 : vector<16xf32>
      %swap3A = arith.index_cast %scan3A_286 : i32 to index
      %swap3A_320 = arith.constant 0 : index
      %swap3A_321 = tpu.vector_load %arg12[%swap3A, %swap3A_320] {strides = array<i32>} : memref<128x128xf32, #tpu.memory_space<vmem>>, vector<1x16xf32>,
      %swap3A_322 = vector.shape_cast %swap3A_321 : vector<1x16xf32> to vector<16xf32>
      %swap3A_323 = vector.shape_cast %add3A_319 : vector<16xf32> to vector<1x16xf32>
      tpu.vector_store %arg12[%swap3A, %swap3A_320], %swap3A_323 {strides = array<i32>} : memref<128x128xf32, #tpu.memory_space<vmem>>, vector<1x16xf32>,
      %get3A_324 = arith.index_cast %select_n3A : i32 to index
      %get3A_325 = arith.constant 16 : index
      %get3A_326 = tpu.vector_load %arg11[%get3A_324, %get3A_325] {strides = array<i32>} : memref<128x128xf32, #tpu.memory_space<vmem>>, vector<1x16xf32>,
      %get3A_327 = vector.shape_cast %get3A_326 : vector<1x16xf32> to vector<16xf32>
      %add3A_328 = arith.constant 64 : i32
      %add3A_329 = arith.addi %add3A_328, %rem3A_309 : i32
      %get3A_330 = arith.index_cast %add3A_329 : i32 to index
      %get3A_331 = arith.constant 16 : index
      %get3A_332 = tpu.vector_load %arg11[%get3A_330, %get3A_331] {strides = array<i32>} : memref<128x128xf32, #tpu.memory_space<vmem>>, vector<1x16xf32>,
      %get3A_333 = vector.shape_cast %get3A_332 : vector<1x16xf32> to vector<16xf32>
      %add3A_334 = arith.addf %get3A_327, %get3A_333 : vector<16xf32>
      %swap3A_335 = arith.index_cast %scan3A_286 : i32 to index
      %swap3A_336 = arith.constant 16 : index
      %swap3A_337 = tpu.vector_load %arg12[%swap3A_335, %swap3A_336] {strides = array<i32>} : memref<128x128xf32, #tpu.memory_space<vmem>>, vector<1x16xf32>,
      %swap3A_338 = vector.shape_cast %swap3A_337 : vector<1x16xf32> to vector<16xf32>
      %swap3A_339 = vector.shape_cast %add3A_334 : vector<16xf32> to vector<1x16xf32>
      tpu.vector_store %arg12[%swap3A_335, %swap3A_336], %swap3A_339 {strides = array<i32>} : memref<128x128xf32, #tpu.memory_space<vmem>>, vector<1x16xf32>,
      %get3A_340 = arith.index_cast %select_n3A : i32 to index
      %get3A_341 = arith.constant 32 : index
      %get3A_342 = tpu.vector_load %arg11[%get3A_340, %get3A_341] {strides = array<i32>} : memref<128x128xf32, #tpu.memory_space<vmem>>, vector<1x16xf32>,
      %get3A_343 = vector.shape_cast %get3A_342 : vector<1x16xf32> to vector<16xf32>
      %add3A_344 = arith.constant 64 : i32
      %add3A_345 = arith.addi %add3A_344, %rem3A_309 : i32
      %get3A_346 = arith.index_cast %add3A_345 : i32 to index
      %get3A_347 = arith.constant 32 : index
      %get3A_348 = tpu.vector_load %arg11[%get3A_346, %get3A_347] {strides = array<i32>} : memref<128x128xf32, #tpu.memory_space<vmem>>, vector<1x16xf32>,
      %get3A_349 = vector.shape_cast %get3A_348 : vector<1x16xf32> to vector<16xf32>
      %add3A_350 = arith.addf %get3A_343, %get3A_349 : vector<16xf32>
      %swap3A_351 = arith.index_cast %scan3A_286 : i32 to index
      %swap3A_352 = arith.constant 32 : index
      %swap3A_353 = tpu.vector_load %arg12[%swap3A_351, %swap3A_352] {strides = array<i32>} : memref<128x128xf32, #tpu.memory_space<vmem>>, vector<1x16xf32>,
      %swap3A_354 = vector.shape_cast %swap3A_353 : vector<1x16xf32> to vector<16xf32>
      %swap3A_355 = vector.shape_cast %add3A_350 : vector<16xf32> to vector<1x16xf32>
      tpu.vector_store %arg12[%swap3A_351, %swap3A_352], %swap3A_355 {strides = array<i32>} : memref<128x128xf32, #tpu.memory_space<vmem>>, vector<1x16xf32>,
      %get3A_356 = arith.index_cast %select_n3A : i32 to index
      %get3A_357 = arith.constant 48 : index
      %get3A_358 = tpu.vector_load %arg11[%get3A_356, %get3A_357] {strides = array<i32>} : memref<128x128xf32, #tpu.memory_space<vmem>>, vector<1x16xf32>,
      %get3A_359 = vector.shape_cast %get3A_358 : vector<1x16xf32> to vector<16xf32>
      %add3A_360 = arith.constant 64 : i32
      %add3A_361 = arith.addi %add3A_360, %rem3A_309 : i32
      %get3A_362 = arith.index_cast %add3A_361 : i32 to index
      %get3A_363 = arith.constant 48 : index
      %get3A_364 = tpu.vector_load %arg11[%get3A_362, %get3A_363] {strides = array<i32>} : memref<128x128xf32, #tpu.memory_space<vmem>>, vector<1x16xf32>,
      %get3A_365 = vector.shape_cast %get3A_364 : vector<1x16xf32> to vector<16xf32>
      %add3A_366 = arith.addf %get3A_359, %get3A_365 : vector<16xf32>
      %swap3A_367 = arith.index_cast %scan3A_286 : i32 to index
      %swap3A_368 = arith.constant 48 : index
      %swap3A_369 = tpu.vector_load %arg12[%swap3A_367, %swap3A_368] {strides = array<i32>} : memref<128x128xf32, #tpu.memory_space<vmem>>, vector<1x16xf32>,
      %swap3A_370 = vector.shape_cast %swap3A_369 : vector<1x16xf32> to vector<16xf32>
      %swap3A_371 = vector.shape_cast %add3A_366 : vector<16xf32> to vector<1x16xf32>
      tpu.vector_store %arg12[%swap3A_367, %swap3A_368], %swap3A_371 {strides = array<i32>} : memref<128x128xf32, #tpu.memory_space<vmem>>, vector<1x16xf32>,
      %get3A_372 = arith.index_cast %select_n3A : i32 to index
      %get3A_373 = arith.constant 64 : index
      %get3A_374 = tpu.vector_load %arg11[%get3A_372, %get3A_373] {strides = array<i32>} : memref<128x128xf32, #tpu.memory_space<vmem>>, vector<1x16xf32>,
      %get3A_375 = vector.shape_cast %get3A_374 : vector<1x16xf32> to vector<16xf32>
      %add3A_376 = arith.constant 64 : i32
      %add3A_377 = arith.addi %add3A_376, %rem3A_309 : i32
      %get3A_378 = arith.index_cast %add3A_377 : i32 to index
      %get3A_379 = arith.constant 64 : index
      %get3A_380 = tpu.vector_load %arg11[%get3A_378, %get3A_379] {strides = array<i32>} : memref<128x128xf32, #tpu.memory_space<vmem>>, vector<1x16xf32>,
      %get3A_381 = vector.shape_cast %get3A_380 : vector<1x16xf32> to vector<16xf32>
      %add3A_382 = arith.addf %get3A_375, %get3A_381 : vector<16xf32>
      %swap3A_383 = arith.index_cast %scan3A_286 : i32 to index
      %swap3A_384 = arith.constant 64 : index
      %swap3A_385 = tpu.vector_load %arg12[%swap3A_383, %swap3A_384] {strides = array<i32>} : memref<128x128xf32, #tpu.memory_space<vmem>>, vector<1x16xf32>,
      %swap3A_386 = vector.shape_cast %swap3A_385 : vector<1x16xf32> to vector<16xf32>
      %swap3A_387 = vector.shape_cast %add3A_382 : vector<16xf32> to vector<1x16xf32>
      tpu.vector_store %arg12[%swap3A_383, %swap3A_384], %swap3A_387 {strides = array<i32>} : memref<128x128xf32, #tpu.memory_space<vmem>>, vector<1x16xf32>,
      %get3A_388 = arith.index_cast %select_n3A : i32 to index
      %get3A_389 = arith.constant 80 : index
      %get3A_390 = tpu.vector_load %arg11[%get3A_388, %get3A_389] {strides = array<i32>} : memref<128x128xf32, #tpu.memory_space<vmem>>, vector<1x16xf32>,
      %get3A_391 = vector.shape_cast %get3A_390 : vector<1x16xf32> to vector<16xf32>
      %add3A_392 = arith.constant 64 : i32
      %add3A_393 = arith.addi %add3A_392, %rem3A_309 : i32
      %get3A_394 = arith.index_cast %add3A_393 : i32 to index
      %get3A_395 = arith.constant 80 : index
      %get3A_396 = tpu.vector_load %arg11[%get3A_394, %get3A_395] {strides = array<i32>} : memref<128x128xf32, #tpu.memory_space<vmem>>, vector<1x16xf32>,
      %get3A_397 = vector.shape_cast %get3A_396 : vector<1x16xf32> to vector<16xf32>
      %add3A_398 = arith.addf %get3A_391, %get3A_397 : vector<16xf32>
      %swap3A_399 = arith.index_cast %scan3A_286 : i32 to index
      %swap3A_400 = arith.constant 80 : index
      %swap3A_401 = tpu.vector_load %arg12[%swap3A_399, %swap3A_400] {strides = array<i32>} : memref<128x128xf32, #tpu.memory_space<vmem>>, vector<1x16xf32>,
      %swap3A_402 = vector.shape_cast %swap3A_401 : vector<1x16xf32> to vector<16xf32>
      %swap3A_403 = vector.shape_cast %add3A_398 : vector<16xf32> to vector<1x16xf32>
      tpu.vector_store %arg12[%swap3A_399, %swap3A_400], %swap3A_403 {strides = array<i32>} : memref<128x128xf32, #tpu.memory_space<vmem>>, vector<1x16xf32>,
      %get3A_404 = arith.index_cast %select_n3A : i32 to index
      %get3A_405 = arith.constant 96 : index
      %get3A_406 = tpu.vector_load %arg11[%get3A_404, %get3A_405] {strides = array<i32>} : memref<128x128xf32, #tpu.memory_space<vmem>>, vector<1x16xf32>,
      %get3A_407 = vector.shape_cast %get3A_406 : vector<1x16xf32> to vector<16xf32>
      %add3A_408 = arith.constant 64 : i32
      %add3A_409 = arith.addi %add3A_408, %rem3A_309 : i32
      %get3A_410 = arith.index_cast %add3A_409 : i32 to index
      %get3A_411 = arith.constant 96 : index
      %get3A_412 = tpu.vector_load %arg11[%get3A_410, %get3A_411] {strides = array<i32>} : memref<128x128xf32, #tpu.memory_space<vmem>>, vector<1x16xf32>,
      %get3A_413 = vector.shape_cast %get3A_412 : vector<1x16xf32> to vector<16xf32>
      %add3A_414 = arith.addf %get3A_407, %get3A_413 : vector<16xf32>
      %swap3A_415 = arith.index_cast %scan3A_286 : i32 to index
      %swap3A_416 = arith.constant 96 : index
      %swap3A_417 = tpu.vector_load %arg12[%swap3A_415, %swap3A_416] {strides = array<i32>} : memref<128x128xf32, #tpu.memory_space<vmem>>, vector<1x16xf32>,
      %swap3A_418 = vector.shape_cast %swap3A_417 : vector<1x16xf32> to vector<16xf32>
      %swap3A_419 = vector.shape_cast %add3A_414 : vector<16xf32> to vector<1x16xf32>
      tpu.vector_store %arg12[%swap3A_415, %swap3A_416], %swap3A_419 {strides = array<i32>} : memref<128x128xf32, #tpu.memory_space<vmem>>, vector<1x16xf32>,
      %get3A_420 = arith.index_cast %select_n3A : i32 to index
      %get3A_421 = arith.constant 112 : index
      %get3A_422 = tpu.vector_load %arg11[%get3A_420, %get3A_421] {strides = array<i32>} : memref<128x128xf32, #tpu.memory_space<vmem>>, vector<1x16xf32>,
      %get3A_423 = vector.shape_cast %get3A_422 : vector<1x16xf32> to vector<16xf32>
      %add3A_424 = arith.constant 64 : i32
      %add3A_425 = arith.addi %add3A_424, %rem3A_309 : i32
      %get3A_426 = arith.index_cast %add3A_425 : i32 to index
      %get3A_427 = arith.constant 112 : index
      %get3A_428 = tpu.vector_load %arg11[%get3A_426, %get3A_427] {strides = array<i32>} : memref<128x128xf32, #tpu.memory_space<vmem>>, vector<1x16xf32>,
      %get3A_429 = vector.shape_cast %get3A_428 : vector<1x16xf32> to vector<16xf32>
      %add3A_430 = arith.addf %get3A_423, %get3A_429 : vector<16xf32>
      %swap3A_431 = arith.index_cast %scan3A_286 : i32 to index
      %swap3A_432 = arith.constant 112 : index
      %swap3A_433 = tpu.vector_load %arg12[%swap3A_431, %swap3A_432] {strides = array<i32>} : memref<128x128xf32, #tpu.memory_space<vmem>>, vector<1x16xf32>,
      %swap3A_434 = vector.shape_cast %swap3A_433 : vector<1x16xf32> to vector<16xf32>
      %swap3A_435 = vector.shape_cast %add3A_430 : vector<16xf32> to vector<1x16xf32>
      tpu.vector_store %arg12[%swap3A_431, %swap3A_432], %swap3A_435 {strides = array<i32>} : memref<128x128xf32, #tpu.memory_space<vmem>>, vector<1x16xf32>,
    }
    %scan3A_15 = arith.constant 128 : i32
    %mul3A_16 = arith.constant 256 : i32
    %mul3A_17 = arith.muli %arg1, %mul3A_16 : i32
    %add3A_18 = arith.constant 128 : i32
    %add3A_19 = arith.addi %mul3A_17, %add3A_18 : i32
    "tpu.region"() ({
      %run_scoped3A = tpu.sem_alloc : memref<!tpu.dma_semaphore, #tpu.memory_space<semaphore_mem>>
      %dma_start3A_286 = arith.constant 0 : i32
      %dma_start3A_287 = tpu.memref_slice %arg31[%add3A_19, %dma_start3A_286] : memref<4096x128xf32, #tpu.memory_space<vmem_shared>> -> memref<128x128xf32, #tpu.memory_space<vmem_shared>>
      %dma_start3A_288 = arith.constant 0 : i32
      %dma_start3A_289 = tpu.memref_slice %arg31[%add3A_19, %dma_start3A_288] : memref<4096x128xf32, #tpu.memory_space<vmem_shared>> -> memref<128x128xf32, #tpu.memory_space<vmem_shared>>
      tpu.enqueue_dma source(%arg12 : memref<128x128xf32, #tpu.memory_space<vmem>>) target(%dma_start3A_289 : memref<128x128xf32, #tpu.memory_space<vmem_shared>>) target_semaphore(%run_scoped3A : memref<!tpu.dma_semaphore, #tpu.memory_space<semaphore_mem>>)
      %dma_wait3A_290 = arith.constant 0 : i32
      %dma_wait3A_291 = tpu.memref_slice %arg31[%add3A_19, %dma_wait3A_290] : memref<4096x128xf32, #tpu.memory_space<vmem_shared>> -> memref<128x128xf32, #tpu.memory_space<vmem_shared>>
      %dma_wait3A_292 = arith.constant 0 : i32
      %dma_wait3A_293 = tpu.memref_slice %arg31[%add3A_19, %dma_wait3A_292] : memref<4096x128xf32, #tpu.memory_space<vmem_shared>> -> memref<128x128xf32, #tpu.memory_space<vmem_shared>>
      tpu.wait_dma2 semaphore(%run_scoped3A : memref<!tpu.dma_semaphore, #tpu.memory_space<semaphore_mem>>) src(%arg12 : memref<128x128xf32, #tpu.memory_space<vmem>>) dst(%dma_wait3A_293 : memref<128x128xf32, #tpu.memory_space<vmem_shared>>)
      tpu.yield
    }) : () -> ()
    %barrier3A = arith.constant 0 : index
    tpu.barrier barrier_id(%barrier3A)
    %mul3A_20 = arith.constant 102400 : i32
    %mul3A_21 = arith.muli %add3A, %mul3A_20 : i32
    %add3A_22 = arith.constant 0 : i32
    %add3A_23 = arith.addi %mul3A_21, %add3A_22 : i32
    %dma_start3A = tpu.memref_slice %arg2[%add3A_23] : memref<3276800xi32, #tpu.memory_space<hbm>> -> memref<128xi32, #tpu.memory_space<hbm>>
    %dma_start3A_24 = tpu.memref_slice %arg2[%add3A_23] : memref<3276800xi32, #tpu.memory_space<hbm>> -> memref<128xi32, #tpu.memory_space<hbm>>
    tpu.enqueue_dma source(%dma_start3A_24 : memref<128xi32, #tpu.memory_space<hbm>>) target(%arg6 : memref<128xi32, #tpu.memory_space<vmem>>) target_semaphore(%arg16 : memref<!tpu.dma_semaphore, #tpu.memory_space<semaphore_mem>>)
    %add3A_25 = arith.constant 128 : i32
    %add3A_26 = arith.addi %mul3A_21, %add3A_25 : i32
    %dma_start3A_27 = tpu.memref_slice %arg2[%add3A_26] : memref<3276800xi32, #tpu.memory_space<hbm>> -> memref<128xi32, #tpu.memory_space<hbm>>
    %dma_start3A_28 = tpu.memref_slice %arg2[%add3A_26] : memref<3276800xi32, #tpu.memory_space<hbm>> -> memref<128xi32, #tpu.memory_space<hbm>>
    tpu.enqueue_dma source(%dma_start3A_28 : memref<128xi32, #tpu.memory_space<hbm>>) target(%arg7 : memref<128xi32, #tpu.memory_space<vmem>>) target_semaphore(%arg17 : memref<!tpu.dma_semaphore, #tpu.memory_space<semaphore_mem>>)
    %dma_wait3A = arith.constant 0 : i32
    %dma_wait3A_29 = tpu.memref_slice %arg2[%dma_wait3A] : memref<3276800xi32, #tpu.memory_space<hbm>> -> memref<128xi32, #tpu.memory_space<hbm>>
    %dma_wait3A_30 = arith.constant 0 : i32
    %dma_wait3A_31 = tpu.memref_slice %arg2[%dma_wait3A_30] : memref<3276800xi32, #tpu.memory_space<hbm>> -> memref<128xi32, #tpu.memory_space<hbm>>
    tpu.wait_dma2 semaphore(%arg16 : memref<!tpu.dma_semaphore, #tpu.memory_space<semaphore_mem>>) src(%dma_wait3A_31 : memref<128xi32, #tpu.memory_space<hbm>>) dst(%arg6 : memref<128xi32, #tpu.memory_space<vmem>>)
    %dma_start3A_32 = arith.constant 0 : i32
    %dma_start3A_33 = arith.constant 0 : i32
    %dma_start3A_34 = tpu.memref_slice %arg31[%dma_start3A_32, %dma_start3A_33] : memref<4096x128xf32, #tpu.memory_space<vmem_shared>> -> memref<4096x128xf32, #tpu.memory_space<vmem_shared>>
    tpu.enqueue_indirect_dma source(%dma_start3A_34 : memref<4096x128xf32, #tpu.memory_space<vmem_shared>>) target(%arg11 : memref<128x128xf32, #tpu.memory_space<vmem>>) offsets(%arg6 : memref<128xi32, #tpu.memory_space<vmem>>) semaphore(%arg21 : memref<!tpu.dma_semaphore, #tpu.memory_space<semaphore_mem>>)
    %dma_wait3A_35 = arith.constant 0 : i32
    %dma_wait3A_36 = tpu.memref_slice %arg2[%dma_wait3A_35] : memref<3276800xi32, #tpu.memory_space<hbm>> -> memref<128xi32, #tpu.memory_space<hbm>>
    %dma_wait3A_37 = arith.constant 0 : i32
    %dma_wait3A_38 = tpu.memref_slice %arg2[%dma_wait3A_37] : memref<3276800xi32, #tpu.memory_space<hbm>> -> memref<128xi32, #tpu.memory_space<hbm>>
    tpu.wait_dma2 semaphore(%arg17 : memref<!tpu.dma_semaphore, #tpu.memory_space<semaphore_mem>>) src(%dma_wait3A_38 : memref<128xi32, #tpu.memory_space<hbm>>) dst(%arg7 : memref<128xi32, #tpu.memory_space<vmem>>)
    %dma_start3A_39 = arith.constant 0 : i32
    %dma_start3A_40 = arith.constant 0 : i32
    %dma_start3A_41 = tpu.memref_slice %arg31[%dma_start3A_39, %dma_start3A_40] : memref<4096x128xf32, #tpu.memory_space<vmem_shared>> -> memref<4096x128xf32, #tpu.memory_space<vmem_shared>>
    tpu.enqueue_indirect_dma source(%dma_start3A_41 : memref<4096x128xf32, #tpu.memory_space<vmem_shared>>) target(%arg12 : memref<128x128xf32, #tpu.memory_space<vmem>>) offsets(%arg7 : memref<128xi32, #tpu.memory_space<vmem>>) semaphore(%arg22 : memref<!tpu.dma_semaphore, #tpu.memory_space<semaphore_mem>>)
    %dma_wait3A_42 = arith.constant 0 : i32
    %dma_wait3A_43 = arith.constant 0 : i32
    %dma_wait3A_44 = tpu.memref_slice %arg31[%dma_wait3A_42, %dma_wait3A_43] : memref<4096x128xf32, #tpu.memory_space<vmem_shared>> -> memref<4096x128xf32, #tpu.memory_space<vmem_shared>>
    tpu.wait_indirect_dma semaphore(%arg21 : memref<!tpu.dma_semaphore, #tpu.memory_space<semaphore_mem>>) src(%dma_wait3A_44 : memref<4096x128xf32, #tpu.memory_space<vmem_shared>>) dst(%arg11 : memref<128x128xf32, #tpu.memory_space<vmem>>)
    %add3A_45 = arith.constant 0 : i32
    %add3A_46 = arith.addi %mul3A_21, %add3A_45 : i32
    %dma_start3A_47 = arith.constant 0 : i32
    %dma_start3A_48 = tpu.memref_slice %arg5[%add3A_46, %dma_start3A_47] : memref<3276800x128xf32, #tpu.memory_space<hbm>> -> memref<128x128xf32, #tpu.memory_space<hbm>>
    %dma_start3A_49 = arith.constant 0 : i32
    %dma_start3A_50 = tpu.memref_slice %arg5[%add3A_46, %dma_start3A_49] : memref<3276800x128xf32, #tpu.memory_space<hbm>> -> memref<128x128xf32, #tpu.memory_space<hbm>>
    tpu.enqueue_dma source(%arg11 : memref<128x128xf32, #tpu.memory_space<vmem>>) target(%dma_start3A_50 : memref<128x128xf32, #tpu.memory_space<hbm>>) target_semaphore(%arg26 : memref<!tpu.dma_semaphore, #tpu.memory_space<semaphore_mem>>)
    %add3A_51 = arith.constant 256 : i32
    %add3A_52 = arith.addi %mul3A_21, %add3A_51 : i32
    %dma_start3A_53 = tpu.memref_slice %arg2[%add3A_52] : memref<3276800xi32, #tpu.memory_space<hbm>> -> memref<128xi32, #tpu.memory_space<hbm>>
    %dma_start3A_54 = tpu.memref_slice %arg2[%add3A_52] : memref<3276800xi32, #tpu.memory_space<hbm>> -> memref<128xi32, #tpu.memory_space<hbm>>
    tpu.enqueue_dma source(%dma_start3A_54 : memref<128xi32, #tpu.memory_space<hbm>>) target(%arg8 : memref<128xi32, #tpu.memory_space<vmem>>) target_semaphore(%arg18 : memref<!tpu.dma_semaphore, #tpu.memory_space<semaphore_mem>>)
    %dma_wait3A_55 = arith.constant 0 : i32
    %dma_wait3A_56 = tpu.memref_slice %arg2[%dma_wait3A_55] : memref<3276800xi32, #tpu.memory_space<hbm>> -> memref<128xi32, #tpu.memory_space<hbm>>
    %dma_wait3A_57 = arith.constant 0 : i32
    %dma_wait3A_58 = tpu.memref_slice %arg2[%dma_wait3A_57] : memref<3276800xi32, #tpu.memory_space<hbm>> -> memref<128xi32, #tpu.memory_space<hbm>>
    tpu.wait_dma2 semaphore(%arg18 : memref<!tpu.dma_semaphore, #tpu.memory_space<semaphore_mem>>) src(%dma_wait3A_58 : memref<128xi32, #tpu.memory_space<hbm>>) dst(%arg8 : memref<128xi32, #tpu.memory_space<vmem>>)
    %dma_start3A_59 = arith.constant 0 : i32
    %dma_start3A_60 = arith.constant 0 : i32
    %dma_start3A_61 = tpu.memref_slice %arg31[%dma_start3A_59, %dma_start3A_60] : memref<4096x128xf32, #tpu.memory_space<vmem_shared>> -> memref<4096x128xf32, #tpu.memory_space<vmem_shared>>
    tpu.enqueue_indirect_dma source(%dma_start3A_61 : memref<4096x128xf32, #tpu.memory_space<vmem_shared>>) target(%arg13 : memref<128x128xf32, #tpu.memory_space<vmem>>) offsets(%arg8 : memref<128xi32, #tpu.memory_space<vmem>>) semaphore(%arg23 : memref<!tpu.dma_semaphore, #tpu.memory_space<semaphore_mem>>)
    %dma_wait3A_62 = arith.constant 0 : i32
    %dma_wait3A_63 = arith.constant 0 : i32
    %dma_wait3A_64 = tpu.memref_slice %arg31[%dma_wait3A_62, %dma_wait3A_63] : memref<4096x128xf32, #tpu.memory_space<vmem_shared>> -> memref<4096x128xf32, #tpu.memory_space<vmem_shared>>
    tpu.wait_indirect_dma semaphore(%arg22 : memref<!tpu.dma_semaphore, #tpu.memory_space<semaphore_mem>>) src(%dma_wait3A_64 : memref<4096x128xf32, #tpu.memory_space<vmem_shared>>) dst(%arg12 : memref<128x128xf32, #tpu.memory_space<vmem>>)
    %add3A_65 = arith.constant 128 : i32
    %add3A_66 = arith.addi %mul3A_21, %add3A_65 : i32
    %dma_start3A_67 = arith.constant 0 : i32
    %dma_start3A_68 = tpu.memref_slice %arg5[%add3A_66, %dma_start3A_67] : memref<3276800x128xf32, #tpu.memory_space<hbm>> -> memref<128x128xf32, #tpu.memory_space<hbm>>
    %dma_start3A_69 = arith.constant 0 : i32
    %dma_start3A_70 = tpu.memref_slice %arg5[%add3A_66, %dma_start3A_69] : memref<3276800x128xf32, #tpu.memory_space<hbm>> -> memref<128x128xf32, #tpu.memory_space<hbm>>
    tpu.enqueue_dma source(%arg12 : memref<128x128xf32, #tpu.memory_space<vmem>>) target(%dma_start3A_70 : memref<128x128xf32, #tpu.memory_space<hbm>>) target_semaphore(%arg27 : memref<!tpu.dma_semaphore, #tpu.memory_space<semaphore_mem>>)
    %add3A_71 = arith.constant 384 : i32
    %add3A_72 = arith.addi %mul3A_21, %add3A_71 : i32
    %dma_start3A_73 = tpu.memref_slice %arg2[%add3A_72] : memref<3276800xi32, #tpu.memory_space<hbm>> -> memref<128xi32, #tpu.memory_space<hbm>>
    %dma_start3A_74 = tpu.memref_slice %arg2[%add3A_72] : memref<3276800xi32, #tpu.memory_space<hbm>> -> memref<128xi32, #tpu.memory_space<hbm>>
    tpu.enqueue_dma source(%dma_start3A_74 : memref<128xi32, #tpu.memory_space<hbm>>) target(%arg9 : memref<128xi32, #tpu.memory_space<vmem>>) target_semaphore(%arg19 : memref<!tpu.dma_semaphore, #tpu.memory_space<semaphore_mem>>)
    %dma_wait3A_75 = arith.constant 0 : i32
    %dma_wait3A_76 = tpu.memref_slice %arg2[%dma_wait3A_75] : memref<3276800xi32, #tpu.memory_space<hbm>> -> memref<128xi32, #tpu.memory_space<hbm>>
    %dma_wait3A_77 = arith.constant 0 : i32
    %dma_wait3A_78 = tpu.memref_slice %arg2[%dma_wait3A_77] : memref<3276800xi32, #tpu.memory_space<hbm>> -> memref<128xi32, #tpu.memory_space<hbm>>
    tpu.wait_dma2 semaphore(%arg19 : memref<!tpu.dma_semaphore, #tpu.memory_space<semaphore_mem>>) src(%dma_wait3A_78 : memref<128xi32, #tpu.memory_space<hbm>>) dst(%arg9 : memref<128xi32, #tpu.memory_space<vmem>>)
    %dma_start3A_79 = arith.constant 0 : i32
    %dma_start3A_80 = arith.constant 0 : i32
    %dma_start3A_81 = tpu.memref_slice %arg31[%dma_start3A_79, %dma_start3A_80] : memref<4096x128xf32, #tpu.memory_space<vmem_shared>> -> memref<4096x128xf32, #tpu.memory_space<vmem_shared>>
    tpu.enqueue_indirect_dma source(%dma_start3A_81 : memref<4096x128xf32, #tpu.memory_space<vmem_shared>>) target(%arg14 : memref<128x128xf32, #tpu.memory_space<vmem>>) offsets(%arg9 : memref<128xi32, #tpu.memory_space<vmem>>) semaphore(%arg24 : memref<!tpu.dma_semaphore, #tpu.memory_space<semaphore_mem>>)
    %dma_wait3A_82 = arith.constant 0 : i32
    %dma_wait3A_83 = arith.constant 0 : i32
    %dma_wait3A_84 = tpu.memref_slice %arg31[%dma_wait3A_82, %dma_wait3A_83] : memref<4096x128xf32, #tpu.memory_space<vmem_shared>> -> memref<4096x128xf32, #tpu.memory_space<vmem_shared>>
    tpu.wait_indirect_dma semaphore(%arg23 : memref<!tpu.dma_semaphore, #tpu.memory_space<semaphore_mem>>) src(%dma_wait3A_84 : memref<4096x128xf32, #tpu.memory_space<vmem_shared>>) dst(%arg13 : memref<128x128xf32, #tpu.memory_space<vmem>>)
    %add3A_85 = arith.constant 256 : i32
    %add3A_86 = arith.addi %mul3A_21, %add3A_85 : i32
    %dma_start3A_87 = arith.constant 0 : i32
    %dma_start3A_88 = tpu.memref_slice %arg5[%add3A_86, %dma_start3A_87] : memref<3276800x128xf32, #tpu.memory_space<hbm>> -> memref<128x128xf32, #tpu.memory_space<hbm>>
    %dma_start3A_89 = arith.constant 0 : i32
    %dma_start3A_90 = tpu.memref_slice %arg5[%add3A_86, %dma_start3A_89] : memref<3276800x128xf32, #tpu.memory_space<hbm>> -> memref<128x128xf32, #tpu.memory_space<hbm>>
    tpu.enqueue_dma source(%arg13 : memref<128x128xf32, #tpu.memory_space<vmem>>) target(%dma_start3A_90 : memref<128x128xf32, #tpu.memory_space<hbm>>) target_semaphore(%arg28 : memref<!tpu.dma_semaphore, #tpu.memory_space<semaphore_mem>>)
    %add3A_91 = arith.constant 512 : i32
    %add3A_92 = arith.addi %mul3A_21, %add3A_91 : i32
    %dma_start3A_93 = tpu.memref_slice %arg2[%add3A_92] : memref<3276800xi32, #tpu.memory_space<hbm>> -> memref<128xi32, #tpu.memory_space<hbm>>
    %dma_start3A_94 = tpu.memref_slice %arg2[%add3A_92] : memref<3276800xi32, #tpu.memory_space<hbm>> -> memref<128xi32, #tpu.memory_space<hbm>>
    tpu.enqueue_dma source(%dma_start3A_94 : memref<128xi32, #tpu.memory_space<hbm>>) target(%arg10 : memref<128xi32, #tpu.memory_space<vmem>>) target_semaphore(%arg20 : memref<!tpu.dma_semaphore, #tpu.memory_space<semaphore_mem>>)
    %dma_wait3A_95 = arith.constant 0 : i32
    %dma_wait3A_96 = tpu.memref_slice %arg2[%dma_wait3A_95] : memref<3276800xi32, #tpu.memory_space<hbm>> -> memref<128xi32, #tpu.memory_space<hbm>>
    %dma_wait3A_97 = arith.constant 0 : i32
    %dma_wait3A_98 = tpu.memref_slice %arg2[%dma_wait3A_97] : memref<3276800xi32, #tpu.memory_space<hbm>> -> memref<128xi32, #tpu.memory_space<hbm>>
    tpu.wait_dma2 semaphore(%arg20 : memref<!tpu.dma_semaphore, #tpu.memory_space<semaphore_mem>>) src(%dma_wait3A_98 : memref<128xi32, #tpu.memory_space<hbm>>) dst(%arg10 : memref<128xi32, #tpu.memory_space<vmem>>)
    %dma_start3A_99 = arith.constant 0 : i32
    %dma_start3A_100 = arith.constant 0 : i32
    %dma_start3A_101 = tpu.memref_slice %arg31[%dma_start3A_99, %dma_start3A_100] : memref<4096x128xf32, #tpu.memory_space<vmem_shared>> -> memref<4096x128xf32, #tpu.memory_space<vmem_shared>>
    tpu.enqueue_indirect_dma source(%dma_start3A_101 : memref<4096x128xf32, #tpu.memory_space<vmem_shared>>) target(%arg15 : memref<128x128xf32, #tpu.memory_space<vmem>>) offsets(%arg10 : memref<128xi32, #tpu.memory_space<vmem>>) semaphore(%arg25 : memref<!tpu.dma_semaphore, #tpu.memory_space<semaphore_mem>>)
    %dma_wait3A_102 = arith.constant 0 : i32
    %dma_wait3A_103 = arith.constant 0 : i32
    %dma_wait3A_104 = tpu.memref_slice %arg31[%dma_wait3A_102, %dma_wait3A_103] : memref<4096x128xf32, #tpu.memory_space<vmem_shared>> -> memref<4096x128xf32, #tpu.memory_space<vmem_shared>>
    tpu.wait_indirect_dma semaphore(%arg24 : memref<!tpu.dma_semaphore, #tpu.memory_space<semaphore_mem>>) src(%dma_wait3A_104 : memref<4096x128xf32, #tpu.memory_space<vmem_shared>>) dst(%arg14 : memref<128x128xf32, #tpu.memory_space<vmem>>)
    %add3A_105 = arith.constant 384 : i32
    %add3A_106 = arith.addi %mul3A_21, %add3A_105 : i32
    %dma_start3A_107 = arith.constant 0 : i32
    %dma_start3A_108 = tpu.memref_slice %arg5[%add3A_106, %dma_start3A_107] : memref<3276800x128xf32, #tpu.memory_space<hbm>> -> memref<128x128xf32, #tpu.memory_space<hbm>>
    %dma_start3A_109 = arith.constant 0 : i32
    %dma_start3A_110 = tpu.memref_slice %arg5[%add3A_106, %dma_start3A_109] : memref<3276800x128xf32, #tpu.memory_space<hbm>> -> memref<128x128xf32, #tpu.memory_space<hbm>>
    tpu.enqueue_dma source(%arg14 : memref<128x128xf32, #tpu.memory_space<vmem>>) target(%dma_start3A_110 : memref<128x128xf32, #tpu.memory_space<hbm>>) target_semaphore(%arg29 : memref<!tpu.dma_semaphore, #tpu.memory_space<semaphore_mem>>)
    %add3A_111 = arith.constant 640 : i32
    %add3A_112 = arith.addi %mul3A_21, %add3A_111 : i32
    %dma_start3A_113 = tpu.memref_slice %arg2[%add3A_112] : memref<3276800xi32, #tpu.memory_space<hbm>> -> memref<128xi32, #tpu.memory_space<hbm>>
    %dma_start3A_114 = tpu.memref_slice %arg2[%add3A_112] : memref<3276800xi32, #tpu.memory_space<hbm>> -> memref<128xi32, #tpu.memory_space<hbm>>
    tpu.enqueue_dma source(%dma_start3A_114 : memref<128xi32, #tpu.memory_space<hbm>>) target(%arg6 : memref<128xi32, #tpu.memory_space<vmem>>) target_semaphore(%arg16 : memref<!tpu.dma_semaphore, #tpu.memory_space<semaphore_mem>>)
    %scan3A_115 = arith.constant 0 : i32
    %scan3A_116 = arith.constant 0 : i32
    %scan3A_117 = arith.constant 158 : i32
    %scan3A_118 = arith.addi %scan3A_116, %scan3A_117 : i32
    %scan3A_119 = arith.constant 1 : i32
    scf.for %scan3A_286 = %scan3A_116 to %scan3A_118 step %scan3A_119  : i32 {
      %mul3A_287 = arith.constant 5 : i32
      %mul3A_288 = arith.muli %mul3A_287, %scan3A_286 : i32
      %add3A_289 = arith.constant 4 : i32
      %add3A_290 = arith.addi %mul3A_288, %add3A_289 : i32
      %add3A_291 = arith.constant 0 : i32
      %add3A_292 = arith.addi %add3A_290, %add3A_291 : i32
      %dma_wait3A_293 = arith.constant 0 : i32
      %dma_wait3A_294 = tpu.memref_slice %arg2[%dma_wait3A_293] : memref<3276800xi32, #tpu.memory_space<hbm>> -> memref<128xi32, #tpu.memory_space<hbm>>
      %dma_wait3A_295 = arith.constant 0 : i32
      %dma_wait3A_296 = tpu.memref_slice %arg2[%dma_wait3A_295] : memref<3276800xi32, #tpu.memory_space<hbm>> -> memref<128xi32, #tpu.memory_space<hbm>>
      tpu.wait_dma2 semaphore(%arg16 : memref<!tpu.dma_semaphore, #tpu.memory_space<semaphore_mem>>) src(%dma_wait3A_296 : memref<128xi32, #tpu.memory_space<hbm>>) dst(%arg6 : memref<128xi32, #tpu.memory_space<vmem>>)
      %dma_wait3A_297 = arith.constant 0 : i32
      %dma_wait3A_298 = arith.constant 0 : i32
      %dma_wait3A_299 = tpu.memref_slice %arg5[%dma_wait3A_297, %dma_wait3A_298] : memref<3276800x128xf32, #tpu.memory_space<hbm>> -> memref<128x128xf32, #tpu.memory_space<hbm>>
      %dma_wait3A_300 = arith.constant 0 : i32
      %dma_wait3A_301 = arith.constant 0 : i32
      %dma_wait3A_302 = tpu.memref_slice %arg5[%dma_wait3A_300, %dma_wait3A_301] : memref<3276800x128xf32, #tpu.memory_space<hbm>> -> memref<128x128xf32, #tpu.memory_space<hbm>>
      tpu.wait_dma2 semaphore(%arg26 : memref<!tpu.dma_semaphore, #tpu.memory_space<semaphore_mem>>) src(%arg11 : memref<128x128xf32, #tpu.memory_space<vmem>>) dst(%dma_wait3A_302 : memref<128x128xf32, #tpu.memory_space<hbm>>)
      %dma_start3A_303 = arith.constant 0 : i32
      %dma_start3A_304 = arith.constant 0 : i32
      %dma_start3A_305 = tpu.memref_slice %arg31[%dma_start3A_303, %dma_start3A_304] : memref<4096x128xf32, #tpu.memory_space<vmem_shared>> -> memref<4096x128xf32, #tpu.memory_space<vmem_shared>>
      tpu.enqueue_indirect_dma source(%dma_start3A_305 : memref<4096x128xf32, #tpu.memory_space<vmem_shared>>) target(%arg11 : memref<128x128xf32, #tpu.memory_space<vmem>>) offsets(%arg6 : memref<128xi32, #tpu.memory_space<vmem>>) semaphore(%arg21 : memref<!tpu.dma_semaphore, #tpu.memory_space<semaphore_mem>>)
      %dma_wait3A_306 = arith.constant 0 : i32
      %dma_wait3A_307 = arith.constant 0 : i32
      %dma_wait3A_308 = tpu.memref_slice %arg31[%dma_wait3A_306, %dma_wait3A_307] : memref<4096x128xf32, #tpu.memory_space<vmem_shared>> -> memref<4096x128xf32, #tpu.memory_space<vmem_shared>>
      tpu.wait_indirect_dma semaphore(%arg25 : memref<!tpu.dma_semaphore, #tpu.memory_space<semaphore_mem>>) src(%dma_wait3A_308 : memref<4096x128xf32, #tpu.memory_space<vmem_shared>>) dst(%arg15 : memref<128x128xf32, #tpu.memory_space<vmem>>)
      %mul3A_309 = arith.constant 128 : i32
      %mul3A_310 = arith.muli %add3A_292, %mul3A_309 : i32
      %add3A_311 = arith.addi %mul3A_21, %mul3A_310 : i32
      %dma_start3A_312 = arith.constant 0 : i32
      %dma_start3A_313 = tpu.memref_slice %arg5[%add3A_311, %dma_start3A_312] : memref<3276800x128xf32, #tpu.memory_space<hbm>> -> memref<128x128xf32, #tpu.memory_space<hbm>>
      %dma_start3A_314 = arith.constant 0 : i32
      %dma_start3A_315 = tpu.memref_slice %arg5[%add3A_311, %dma_start3A_314] : memref<3276800x128xf32, #tpu.memory_space<hbm>> -> memref<128x128xf32, #tpu.memory_space<hbm>>
      tpu.enqueue_dma source(%arg15 : memref<128x128xf32, #tpu.memory_space<vmem>>) target(%dma_start3A_315 : memref<128x128xf32, #tpu.memory_space<hbm>>) target_semaphore(%arg30 : memref<!tpu.dma_semaphore, #tpu.memory_space<semaphore_mem>>)
      %add3A_316 = arith.constant 2 : i32
      %add3A_317 = arith.addi %add3A_292, %add3A_316 : i32
      %mul3A_318 = arith.constant 128 : i32
      %mul3A_319 = arith.muli %add3A_317, %mul3A_318 : i32
      %add3A_320 = arith.addi %mul3A_21, %mul3A_319 : i32
      %dma_start3A_321 = tpu.memref_slice %arg2[%add3A_320] : memref<3276800xi32, #tpu.memory_space<hbm>> -> memref<128xi32, #tpu.memory_space<hbm>>
      %dma_start3A_322 = tpu.memref_slice %arg2[%add3A_320] : memref<3276800xi32, #tpu.memory_space<hbm>> -> memref<128xi32, #tpu.memory_space<hbm>>
      tpu.enqueue_dma source(%dma_start3A_322 : memref<128xi32, #tpu.memory_space<hbm>>) target(%arg7 : memref<128xi32, #tpu.memory_space<vmem>>) target_semaphore(%arg17 : memref<!tpu.dma_semaphore, #tpu.memory_space<semaphore_mem>>)
      %add3A_323 = arith.constant 1 : i32
      %add3A_324 = arith.addi %add3A_290, %add3A_323 : i32
      %dma_wait3A_325 = arith.constant 0 : i32
      %dma_wait3A_326 = tpu.memref_slice %arg2[%dma_wait3A_325] : memref<3276800xi32, #tpu.memory_space<hbm>> -> memref<128xi32, #tpu.memory_space<hbm>>
      %dma_wait3A_327 = arith.constant 0 : i32
      %dma_wait3A_328 = tpu.memref_slice %arg2[%dma_wait3A_327] : memref<3276800xi32, #tpu.memory_space<hbm>> -> memref<128xi32, #tpu.memory_space<hbm>>
      tpu.wait_dma2 semaphore(%arg17 : memref<!tpu.dma_semaphore, #tpu.memory_space<semaphore_mem>>) src(%dma_wait3A_328 : memref<128xi32, #tpu.memory_space<hbm>>) dst(%arg7 : memref<128xi32, #tpu.memory_space<vmem>>)
      %dma_wait3A_329 = arith.constant 0 : i32
      %dma_wait3A_330 = arith.constant 0 : i32
      %dma_wait3A_331 = tpu.memref_slice %arg5[%dma_wait3A_329, %dma_wait3A_330] : memref<3276800x128xf32, #tpu.memory_space<hbm>> -> memref<128x128xf32, #tpu.memory_space<hbm>>
      %dma_wait3A_332 = arith.constant 0 : i32
      %dma_wait3A_333 = arith.constant 0 : i32
      %dma_wait3A_334 = tpu.memref_slice %arg5[%dma_wait3A_332, %dma_wait3A_333] : memref<3276800x128xf32, #tpu.memory_space<hbm>> -> memref<128x128xf32, #tpu.memory_space<hbm>>
      tpu.wait_dma2 semaphore(%arg27 : memref<!tpu.dma_semaphore, #tpu.memory_space<semaphore_mem>>) src(%arg12 : memref<128x128xf32, #tpu.memory_space<vmem>>) dst(%dma_wait3A_334 : memref<128x128xf32, #tpu.memory_space<hbm>>)
      %dma_start3A_335 = arith.constant 0 : i32
      %dma_start3A_336 = arith.constant 0 : i32
      %dma_start3A_337 = tpu.memref_slice %arg31[%dma_start3A_335, %dma_start3A_336] : memref<4096x128xf32, #tpu.memory_space<vmem_shared>> -> memref<4096x128xf32, #tpu.memory_space<vmem_shared>>
      tpu.enqueue_indirect_dma source(%dma_start3A_337 : memref<4096x128xf32, #tpu.memory_space<vmem_shared>>) target(%arg12 : memref<128x128xf32, #tpu.memory_space<vmem>>) offsets(%arg7 : memref<128xi32, #tpu.memory_space<vmem>>) semaphore(%arg22 : memref<!tpu.dma_semaphore, #tpu.memory_space<semaphore_mem>>)
      %dma_wait3A_338 = arith.constant 0 : i32
      %dma_wait3A_339 = arith.constant 0 : i32
      %dma_wait3A_340 = tpu.memref_slice %arg31[%dma_wait3A_338, %dma_wait3A_339] : memref<4096x128xf32, #tpu.memory_space<vmem_shared>> -> memref<4096x128xf32, #tpu.memory_space<vmem_shared>>
      tpu.wait_indirect_dma semaphore(%arg21 : memref<!tpu.dma_semaphore, #tpu.memory_space<semaphore_mem>>) src(%dma_wait3A_340 : memref<4096x128xf32, #tpu.memory_space<vmem_shared>>) dst(%arg11 : memref<128x128xf32, #tpu.memory_space<vmem>>)
      %mul3A_341 = arith.constant 128 : i32
      %mul3A_342 = arith.muli %add3A_324, %mul3A_341 : i32
      %add3A_343 = arith.addi %mul3A_21, %mul3A_342 : i32
      %dma_start3A_344 = arith.constant 0 : i32
      %dma_start3A_345 = tpu.memref_slice %arg5[%add3A_343, %dma_start3A_344] : memref<3276800x128xf32, #tpu.memory_space<hbm>> -> memref<128x128xf32, #tpu.memory_space<hbm>>
      %dma_start3A_346 = arith.constant 0 : i32
      %dma_start3A_347 = tpu.memref_slice %arg5[%add3A_343, %dma_start3A_346] : memref<3276800x128xf32, #tpu.memory_space<hbm>> -> memref<128x128xf32, #tpu.memory_space<hbm>>
      tpu.enqueue_dma source(%arg11 : memref<128x128xf32, #tpu.memory_space<vmem>>) target(%dma_start3A_347 : memref<128x128xf32, #tpu.memory_space<hbm>>) target_semaphore(%arg26 : memref<!tpu.dma_semaphore, #tpu.memory_space<semaphore_mem>>)
      %add3A_348 = arith.constant 2 : i32
      %add3A_349 = arith.addi %add3A_324, %add3A_348 : i32
      %mul3A_350 = arith.constant 128 : i32
      %mul3A_351 = arith.muli %add3A_349, %mul3A_350 : i32
      %add3A_352 = arith.addi %mul3A_21, %mul3A_351 : i32
      %dma_start3A_353 = tpu.memref_slice %arg2[%add3A_352] : memref<3276800xi32, #tpu.memory_space<hbm>> -> memref<128xi32, #tpu.memory_space<hbm>>
      %dma_start3A_354 = tpu.memref_slice %arg2[%add3A_352] : memref<3276800xi32, #tpu.memory_space<hbm>> -> memref<128xi32, #tpu.memory_space<hbm>>
      tpu.enqueue_dma source(%dma_start3A_354 : memref<128xi32, #tpu.memory_space<hbm>>) target(%arg8 : memref<128xi32, #tpu.memory_space<vmem>>) target_semaphore(%arg18 : memref<!tpu.dma_semaphore, #tpu.memory_space<semaphore_mem>>)
      %add3A_355 = arith.constant 2 : i32
      %add3A_356 = arith.addi %add3A_290, %add3A_355 : i32
      %dma_wait3A_357 = arith.constant 0 : i32
      %dma_wait3A_358 = tpu.memref_slice %arg2[%dma_wait3A_357] : memref<3276800xi32, #tpu.memory_space<hbm>> -> memref<128xi32, #tpu.memory_space<hbm>>
      %dma_wait3A_359 = arith.constant 0 : i32
      %dma_wait3A_360 = tpu.memref_slice %arg2[%dma_wait3A_359] : memref<3276800xi32, #tpu.memory_space<hbm>> -> memref<128xi32, #tpu.memory_space<hbm>>
      tpu.wait_dma2 semaphore(%arg18 : memref<!tpu.dma_semaphore, #tpu.memory_space<semaphore_mem>>) src(%dma_wait3A_360 : memref<128xi32, #tpu.memory_space<hbm>>) dst(%arg8 : memref<128xi32, #tpu.memory_space<vmem>>)
      %dma_wait3A_361 = arith.constant 0 : i32
      %dma_wait3A_362 = arith.constant 0 : i32
      %dma_wait3A_363 = tpu.memref_slice %arg5[%dma_wait3A_361, %dma_wait3A_362] : memref<3276800x128xf32, #tpu.memory_space<hbm>> -> memref<128x128xf32, #tpu.memory_space<hbm>>
      %dma_wait3A_364 = arith.constant 0 : i32
      %dma_wait3A_365 = arith.constant 0 : i32
      %dma_wait3A_366 = tpu.memref_slice %arg5[%dma_wait3A_364, %dma_wait3A_365] : memref<3276800x128xf32, #tpu.memory_space<hbm>> -> memref<128x128xf32, #tpu.memory_space<hbm>>
      tpu.wait_dma2 semaphore(%arg28 : memref<!tpu.dma_semaphore, #tpu.memory_space<semaphore_mem>>) src(%arg13 : memref<128x128xf32, #tpu.memory_space<vmem>>) dst(%dma_wait3A_366 : memref<128x128xf32, #tpu.memory_space<hbm>>)
      %dma_start3A_367 = arith.constant 0 : i32
      %dma_start3A_368 = arith.constant 0 : i32
      %dma_start3A_369 = tpu.memref_slice %arg31[%dma_start3A_367, %dma_start3A_368] : memref<4096x128xf32, #tpu.memory_space<vmem_shared>> -> memref<4096x128xf32, #tpu.memory_space<vmem_shared>>
      tpu.enqueue_indirect_dma source(%dma_start3A_369 : memref<4096x128xf32, #tpu.memory_space<vmem_shared>>) target(%arg13 : memref<128x128xf32, #tpu.memory_space<vmem>>) offsets(%arg8 : memref<128xi32, #tpu.memory_space<vmem>>) semaphore(%arg23 : memref<!tpu.dma_semaphore, #tpu.memory_space<semaphore_mem>>)
      %dma_wait3A_370 = arith.constant 0 : i32
      %dma_wait3A_371 = arith.constant 0 : i32
      %dma_wait3A_372 = tpu.memref_slice %arg31[%dma_wait3A_370, %dma_wait3A_371] : memref<4096x128xf32, #tpu.memory_space<vmem_shared>> -> memref<4096x128xf32, #tpu.memory_space<vmem_shared>>
      tpu.wait_indirect_dma semaphore(%arg22 : memref<!tpu.dma_semaphore, #tpu.memory_space<semaphore_mem>>) src(%dma_wait3A_372 : memref<4096x128xf32, #tpu.memory_space<vmem_shared>>) dst(%arg12 : memref<128x128xf32, #tpu.memory_space<vmem>>)
      %mul3A_373 = arith.constant 128 : i32
      %mul3A_374 = arith.muli %add3A_356, %mul3A_373 : i32
      %add3A_375 = arith.addi %mul3A_21, %mul3A_374 : i32
      %dma_start3A_376 = arith.constant 0 : i32
      %dma_start3A_377 = tpu.memref_slice %arg5[%add3A_375, %dma_start3A_376] : memref<3276800x128xf32, #tpu.memory_space<hbm>> -> memref<128x128xf32, #tpu.memory_space<hbm>>
      %dma_start3A_378 = arith.constant 0 : i32
      %dma_start3A_379 = tpu.memref_slice %arg5[%add3A_375, %dma_start3A_378] : memref<3276800x128xf32, #tpu.memory_space<hbm>> -> memref<128x128xf32, #tpu.memory_space<hbm>>
      tpu.enqueue_dma source(%arg12 : memref<128x128xf32, #tpu.memory_space<vmem>>) target(%dma_start3A_379 : memref<128x128xf32, #tpu.memory_space<hbm>>) target_semaphore(%arg27 : memref<!tpu.dma_semaphore, #tpu.memory_space<semaphore_mem>>)
      %add3A_380 = arith.constant 2 : i32
      %add3A_381 = arith.addi %add3A_356, %add3A_380 : i32
      %mul3A_382 = arith.constant 128 : i32
      %mul3A_383 = arith.muli %add3A_381, %mul3A_382 : i32
      %add3A_384 = arith.addi %mul3A_21, %mul3A_383 : i32
      %dma_start3A_385 = tpu.memref_slice %arg2[%add3A_384] : memref<3276800xi32, #tpu.memory_space<hbm>> -> memref<128xi32, #tpu.memory_space<hbm>>
      %dma_start3A_386 = tpu.memref_slice %arg2[%add3A_384] : memref<3276800xi32, #tpu.memory_space<hbm>> -> memref<128xi32, #tpu.memory_space<hbm>>
      tpu.enqueue_dma source(%dma_start3A_386 : memref<128xi32, #tpu.memory_space<hbm>>) target(%arg9 : memref<128xi32, #tpu.memory_space<vmem>>) target_semaphore(%arg19 : memref<!tpu.dma_semaphore, #tpu.memory_space<semaphore_mem>>)
      %add3A_387 = arith.constant 3 : i32
      %add3A_388 = arith.addi %add3A_290, %add3A_387 : i32
      %dma_wait3A_389 = arith.constant 0 : i32
      %dma_wait3A_390 = tpu.memref_slice %arg2[%dma_wait3A_389] : memref<3276800xi32, #tpu.memory_space<hbm>> -> memref<128xi32, #tpu.memory_space<hbm>>
      %dma_wait3A_391 = arith.constant 0 : i32
      %dma_wait3A_392 = tpu.memref_slice %arg2[%dma_wait3A_391] : memref<3276800xi32, #tpu.memory_space<hbm>> -> memref<128xi32, #tpu.memory_space<hbm>>
      tpu.wait_dma2 semaphore(%arg19 : memref<!tpu.dma_semaphore, #tpu.memory_space<semaphore_mem>>) src(%dma_wait3A_392 : memref<128xi32, #tpu.memory_space<hbm>>) dst(%arg9 : memref<128xi32, #tpu.memory_space<vmem>>)
      %dma_wait3A_393 = arith.constant 0 : i32
      %dma_wait3A_394 = arith.constant 0 : i32
      %dma_wait3A_395 = tpu.memref_slice %arg5[%dma_wait3A_393, %dma_wait3A_394] : memref<3276800x128xf32, #tpu.memory_space<hbm>> -> memref<128x128xf32, #tpu.memory_space<hbm>>
      %dma_wait3A_396 = arith.constant 0 : i32
      %dma_wait3A_397 = arith.constant 0 : i32
      %dma_wait3A_398 = tpu.memref_slice %arg5[%dma_wait3A_396, %dma_wait3A_397] : memref<3276800x128xf32, #tpu.memory_space<hbm>> -> memref<128x128xf32, #tpu.memory_space<hbm>>
      tpu.wait_dma2 semaphore(%arg29 : memref<!tpu.dma_semaphore, #tpu.memory_space<semaphore_mem>>) src(%arg14 : memref<128x128xf32, #tpu.memory_space<vmem>>) dst(%dma_wait3A_398 : memref<128x128xf32, #tpu.memory_space<hbm>>)
      %dma_start3A_399 = arith.constant 0 : i32
      %dma_start3A_400 = arith.constant 0 : i32
      %dma_start3A_401 = tpu.memref_slice %arg31[%dma_start3A_399, %dma_start3A_400] : memref<4096x128xf32, #tpu.memory_space<vmem_shared>> -> memref<4096x128xf32, #tpu.memory_space<vmem_shared>>
      tpu.enqueue_indirect_dma source(%dma_start3A_401 : memref<4096x128xf32, #tpu.memory_space<vmem_shared>>) target(%arg14 : memref<128x128xf32, #tpu.memory_space<vmem>>) offsets(%arg9 : memref<128xi32, #tpu.memory_space<vmem>>) semaphore(%arg24 : memref<!tpu.dma_semaphore, #tpu.memory_space<semaphore_mem>>)
      %dma_wait3A_402 = arith.constant 0 : i32
      %dma_wait3A_403 = arith.constant 0 : i32
      %dma_wait3A_404 = tpu.memref_slice %arg31[%dma_wait3A_402, %dma_wait3A_403] : memref<4096x128xf32, #tpu.memory_space<vmem_shared>> -> memref<4096x128xf32, #tpu.memory_space<vmem_shared>>
      tpu.wait_indirect_dma semaphore(%arg23 : memref<!tpu.dma_semaphore, #tpu.memory_space<semaphore_mem>>) src(%dma_wait3A_404 : memref<4096x128xf32, #tpu.memory_space<vmem_shared>>) dst(%arg13 : memref<128x128xf32, #tpu.memory_space<vmem>>)
      %mul3A_405 = arith.constant 128 : i32
      %mul3A_406 = arith.muli %add3A_388, %mul3A_405 : i32
      %add3A_407 = arith.addi %mul3A_21, %mul3A_406 : i32
      %dma_start3A_408 = arith.constant 0 : i32
      %dma_start3A_409 = tpu.memref_slice %arg5[%add3A_407, %dma_start3A_408] : memref<3276800x128xf32, #tpu.memory_space<hbm>> -> memref<128x128xf32, #tpu.memory_space<hbm>>
      %dma_start3A_410 = arith.constant 0 : i32
      %dma_start3A_411 = tpu.memref_slice %arg5[%add3A_407, %dma_start3A_410] : memref<3276800x128xf32, #tpu.memory_space<hbm>> -> memref<128x128xf32, #tpu.memory_space<hbm>>
      tpu.enqueue_dma source(%arg13 : memref<128x128xf32, #tpu.memory_space<vmem>>) target(%dma_start3A_411 : memref<128x128xf32, #tpu.memory_space<hbm>>) target_semaphore(%arg28 : memref<!tpu.dma_semaphore, #tpu.memory_space<semaphore_mem>>)
      %add3A_412 = arith.constant 2 : i32
      %add3A_413 = arith.addi %add3A_388, %add3A_412 : i32
      %mul3A_414 = arith.constant 128 : i32
      %mul3A_415 = arith.muli %add3A_413, %mul3A_414 : i32
      %add3A_416 = arith.addi %mul3A_21, %mul3A_415 : i32
      %dma_start3A_417 = tpu.memref_slice %arg2[%add3A_416] : memref<3276800xi32, #tpu.memory_space<hbm>> -> memref<128xi32, #tpu.memory_space<hbm>>
      %dma_start3A_418 = tpu.memref_slice %arg2[%add3A_416] : memref<3276800xi32, #tpu.memory_space<hbm>> -> memref<128xi32, #tpu.memory_space<hbm>>
      tpu.enqueue_dma source(%dma_start3A_418 : memref<128xi32, #tpu.memory_space<hbm>>) target(%arg10 : memref<128xi32, #tpu.memory_space<vmem>>) target_semaphore(%arg20 : memref<!tpu.dma_semaphore, #tpu.memory_space<semaphore_mem>>)
      %add3A_419 = arith.constant 4 : i32
      %add3A_420 = arith.addi %add3A_290, %add3A_419 : i32
      %dma_wait3A_421 = arith.constant 0 : i32
      %dma_wait3A_422 = tpu.memref_slice %arg2[%dma_wait3A_421] : memref<3276800xi32, #tpu.memory_space<hbm>> -> memref<128xi32, #tpu.memory_space<hbm>>
      %dma_wait3A_423 = arith.constant 0 : i32
      %dma_wait3A_424 = tpu.memref_slice %arg2[%dma_wait3A_423] : memref<3276800xi32, #tpu.memory_space<hbm>> -> memref<128xi32, #tpu.memory_space<hbm>>
      tpu.wait_dma2 semaphore(%arg20 : memref<!tpu.dma_semaphore, #tpu.memory_space<semaphore_mem>>) src(%dma_wait3A_424 : memref<128xi32, #tpu.memory_space<hbm>>) dst(%arg10 : memref<128xi32, #tpu.memory_space<vmem>>)
      %dma_wait3A_425 = arith.constant 0 : i32
      %dma_wait3A_426 = arith.constant 0 : i32
      %dma_wait3A_427 = tpu.memref_slice %arg5[%dma_wait3A_425, %dma_wait3A_426] : memref<3276800x128xf32, #tpu.memory_space<hbm>> -> memref<128x128xf32, #tpu.memory_space<hbm>>
      %dma_wait3A_428 = arith.constant 0 : i32
      %dma_wait3A_429 = arith.constant 0 : i32
      %dma_wait3A_430 = tpu.memref_slice %arg5[%dma_wait3A_428, %dma_wait3A_429] : memref<3276800x128xf32, #tpu.memory_space<hbm>> -> memref<128x128xf32, #tpu.memory_space<hbm>>
      tpu.wait_dma2 semaphore(%arg30 : memref<!tpu.dma_semaphore, #tpu.memory_space<semaphore_mem>>) src(%arg15 : memref<128x128xf32, #tpu.memory_space<vmem>>) dst(%dma_wait3A_430 : memref<128x128xf32, #tpu.memory_space<hbm>>)
      %dma_start3A_431 = arith.constant 0 : i32
      %dma_start3A_432 = arith.constant 0 : i32
      %dma_start3A_433 = tpu.memref_slice %arg31[%dma_start3A_431, %dma_start3A_432] : memref<4096x128xf32, #tpu.memory_space<vmem_shared>> -> memref<4096x128xf32, #tpu.memory_space<vmem_shared>>
      tpu.enqueue_indirect_dma source(%dma_start3A_433 : memref<4096x128xf32, #tpu.memory_space<vmem_shared>>) target(%arg15 : memref<128x128xf32, #tpu.memory_space<vmem>>) offsets(%arg10 : memref<128xi32, #tpu.memory_space<vmem>>) semaphore(%arg25 : memref<!tpu.dma_semaphore, #tpu.memory_space<semaphore_mem>>)
      %dma_wait3A_434 = arith.constant 0 : i32
      %dma_wait3A_435 = arith.constant 0 : i32
      %dma_wait3A_436 = tpu.memref_slice %arg31[%dma_wait3A_434, %dma_wait3A_435] : memref<4096x128xf32, #tpu.memory_space<vmem_shared>> -> memref<4096x128xf32, #tpu.memory_space<vmem_shared>>
      tpu.wait_indirect_dma semaphore(%arg24 : memref<!tpu.dma_semaphore, #tpu.memory_space<semaphore_mem>>) src(%dma_wait3A_436 : memref<4096x128xf32, #tpu.memory_space<vmem_shared>>) dst(%arg14 : memref<128x128xf32, #tpu.memory_space<vmem>>)
      %mul3A_437 = arith.constant 128 : i32
      %mul3A_438 = arith.muli %add3A_420, %mul3A_437 : i32
      %add3A_439 = arith.addi %mul3A_21, %mul3A_438 : i32
      %dma_start3A_440 = arith.constant 0 : i32
      %dma_start3A_441 = tpu.memref_slice %arg5[%add3A_439, %dma_start3A_440] : memref<3276800x128xf32, #tpu.memory_space<hbm>> -> memref<128x128xf32, #tpu.memory_space<hbm>>
      %dma_start3A_442 = arith.constant 0 : i32
      %dma_start3A_443 = tpu.memref_slice %arg5[%add3A_439, %dma_start3A_442] : memref<3276800x128xf32, #tpu.memory_space<hbm>> -> memref<128x128xf32, #tpu.memory_space<hbm>>
      tpu.enqueue_dma source(%arg14 : memref<128x128xf32, #tpu.memory_space<vmem>>) target(%dma_start3A_443 : memref<128x128xf32, #tpu.memory_space<hbm>>) target_semaphore(%arg29 : memref<!tpu.dma_semaphore, #tpu.memory_space<semaphore_mem>>)
      %add3A_444 = arith.constant 2 : i32
      %add3A_445 = arith.addi %add3A_420, %add3A_444 : i32
      %mul3A_446 = arith.constant 128 : i32
      %mul3A_447 = arith.muli %add3A_445, %mul3A_446 : i32
      %add3A_448 = arith.addi %mul3A_21, %mul3A_447 : i32
      %dma_start3A_449 = tpu.memref_slice %arg2[%add3A_448] : memref<3276800xi32, #tpu.memory_space<hbm>> -> memref<128xi32, #tpu.memory_space<hbm>>
      %dma_start3A_450 = tpu.memref_slice %arg2[%add3A_448] : memref<3276800xi32, #tpu.memory_space<hbm>> -> memref<128xi32, #tpu.memory_space<hbm>>
      tpu.enqueue_dma source(%dma_start3A_450 : memref<128xi32, #tpu.memory_space<hbm>>) target(%arg6 : memref<128xi32, #tpu.memory_space<vmem>>) target_semaphore(%arg16 : memref<!tpu.dma_semaphore, #tpu.memory_space<semaphore_mem>>)
    }
    %scan3A_120 = arith.constant 158 : i32
    %dma_wait3A_121 = arith.constant 0 : i32
    %dma_wait3A_122 = tpu.memref_slice %arg2[%dma_wait3A_121] : memref<3276800xi32, #tpu.memory_space<hbm>> -> memref<128xi32, #tpu.memory_space<hbm>>
    %dma_wait3A_123 = arith.constant 0 : i32
    %dma_wait3A_124 = tpu.memref_slice %arg2[%dma_wait3A_123] : memref<3276800xi32, #tpu.memory_space<hbm>> -> memref<128xi32, #tpu.memory_space<hbm>>
    tpu.wait_dma2 semaphore(%arg16 : memref<!tpu.dma_semaphore, #tpu.memory_space<semaphore_mem>>) src(%dma_wait3A_124 : memref<128xi32, #tpu.memory_space<hbm>>) dst(%arg6 : memref<128xi32, #tpu.memory_space<vmem>>)
    %dma_wait3A_125 = arith.constant 0 : i32
    %dma_wait3A_126 = arith.constant 0 : i32
    %dma_wait3A_127 = tpu.memref_slice %arg5[%dma_wait3A_125, %dma_wait3A_126] : memref<3276800x128xf32, #tpu.memory_space<hbm>> -> memref<128x128xf32, #tpu.memory_space<hbm>>
    %dma_wait3A_128 = arith.constant 0 : i32
    %dma_wait3A_129 = arith.constant 0 : i32
    %dma_wait3A_130 = tpu.memref_slice %arg5[%dma_wait3A_128, %dma_wait3A_129] : memref<3276800x128xf32, #tpu.memory_space<hbm>> -> memref<128x128xf32, #tpu.memory_space<hbm>>
    tpu.wait_dma2 semaphore(%arg26 : memref<!tpu.dma_semaphore, #tpu.memory_space<semaphore_mem>>) src(%arg11 : memref<128x128xf32, #tpu.memory_space<vmem>>) dst(%dma_wait3A_130 : memref<128x128xf32, #tpu.memory_space<hbm>>)
    %dma_start3A_131 = arith.constant 0 : i32
    %dma_start3A_132 = arith.constant 0 : i32
    %dma_start3A_133 = tpu.memref_slice %arg31[%dma_start3A_131, %dma_start3A_132] : memref<4096x128xf32, #tpu.memory_space<vmem_shared>> -> memref<4096x128xf32, #tpu.memory_space<vmem_shared>>
    tpu.enqueue_indirect_dma source(%dma_start3A_133 : memref<4096x128xf32, #tpu.memory_space<vmem_shared>>) target(%arg11 : memref<128x128xf32, #tpu.memory_space<vmem>>) offsets(%arg6 : memref<128xi32, #tpu.memory_space<vmem>>) semaphore(%arg21 : memref<!tpu.dma_semaphore, #tpu.memory_space<semaphore_mem>>)
    %dma_wait3A_134 = arith.constant 0 : i32
    %dma_wait3A_135 = arith.constant 0 : i32
    %dma_wait3A_136 = tpu.memref_slice %arg31[%dma_wait3A_134, %dma_wait3A_135] : memref<4096x128xf32, #tpu.memory_space<vmem_shared>> -> memref<4096x128xf32, #tpu.memory_space<vmem_shared>>
    tpu.wait_indirect_dma semaphore(%arg25 : memref<!tpu.dma_semaphore, #tpu.memory_space<semaphore_mem>>) src(%dma_wait3A_136 : memref<4096x128xf32, #tpu.memory_space<vmem_shared>>) dst(%arg15 : memref<128x128xf32, #tpu.memory_space<vmem>>)
    %add3A_137 = arith.constant 101632 : i32
    %add3A_138 = arith.addi %mul3A_21, %add3A_137 : i32
    %dma_start3A_139 = arith.constant 0 : i32
    %dma_start3A_140 = tpu.memref_slice %arg5[%add3A_138, %dma_start3A_139] : memref<3276800x128xf32, #tpu.memory_space<hbm>> -> memref<128x128xf32, #tpu.memory_space<hbm>>
    %dma_start3A_141 = arith.constant 0 : i32
    %dma_start3A_142 = tpu.memref_slice %arg5[%add3A_138, %dma_start3A_141] : memref<3276800x128xf32, #tpu.memory_space<hbm>> -> memref<128x128xf32, #tpu.memory_space<hbm>>
    tpu.enqueue_dma source(%arg15 : memref<128x128xf32, #tpu.memory_space<vmem>>) target(%dma_start3A_142 : memref<128x128xf32, #tpu.memory_space<hbm>>) target_semaphore(%arg30 : memref<!tpu.dma_semaphore, #tpu.memory_space<semaphore_mem>>)
    %add3A_143 = arith.constant 101888 : i32
    %add3A_144 = arith.addi %mul3A_21, %add3A_143 : i32
    %dma_start3A_145 = tpu.memref_slice %arg2[%add3A_144] : memref<3276800xi32, #tpu.memory_space<hbm>> -> memref<128xi32, #tpu.memory_space<hbm>>
    %dma_start3A_146 = tpu.memref_slice %arg2[%add3A_144] : memref<3276800xi32, #tpu.memory_space<hbm>> -> memref<128xi32, #tpu.memory_space<hbm>>
    tpu.enqueue_dma source(%dma_start3A_146 : memref<128xi32, #tpu.memory_space<hbm>>) target(%arg7 : memref<128xi32, #tpu.memory_space<vmem>>) target_semaphore(%arg17 : memref<!tpu.dma_semaphore, #tpu.memory_space<semaphore_mem>>)
    %dma_wait3A_147 = arith.constant 0 : i32
    %dma_wait3A_148 = tpu.memref_slice %arg2[%dma_wait3A_147] : memref<3276800xi32, #tpu.memory_space<hbm>> -> memref<128xi32, #tpu.memory_space<hbm>>
    %dma_wait3A_149 = arith.constant 0 : i32
    %dma_wait3A_150 = tpu.memref_slice %arg2[%dma_wait3A_149] : memref<3276800xi32, #tpu.memory_space<hbm>> -> memref<128xi32, #tpu.memory_space<hbm>>
    tpu.wait_dma2 semaphore(%arg17 : memref<!tpu.dma_semaphore, #tpu.memory_space<semaphore_mem>>) src(%dma_wait3A_150 : memref<128xi32, #tpu.memory_space<hbm>>) dst(%arg7 : memref<128xi32, #tpu.memory_space<vmem>>)
    %dma_wait3A_151 = arith.constant 0 : i32
    %dma_wait3A_152 = arith.constant 0 : i32
    %dma_wait3A_153 = tpu.memref_slice %arg5[%dma_wait3A_151, %dma_wait3A_152] : memref<3276800x128xf32, #tpu.memory_space<hbm>> -> memref<128x128xf32, #tpu.memory_space<hbm>>
    %dma_wait3A_154 = arith.constant 0 : i32
    %dma_wait3A_155 = arith.constant 0 : i32
    %dma_wait3A_156 = tpu.memref_slice %arg5[%dma_wait3A_154, %dma_wait3A_155] : memref<3276800x128xf32, #tpu.memory_space<hbm>> -> memref<128x128xf32, #tpu.memory_space<hbm>>
    tpu.wait_dma2 semaphore(%arg27 : memref<!tpu.dma_semaphore, #tpu.memory_space<semaphore_mem>>) src(%arg12 : memref<128x128xf32, #tpu.memory_space<vmem>>) dst(%dma_wait3A_156 : memref<128x128xf32, #tpu.memory_space<hbm>>)
    %dma_start3A_157 = arith.constant 0 : i32
    %dma_start3A_158 = arith.constant 0 : i32
    %dma_start3A_159 = tpu.memref_slice %arg31[%dma_start3A_157, %dma_start3A_158] : memref<4096x128xf32, #tpu.memory_space<vmem_shared>> -> memref<4096x128xf32, #tpu.memory_space<vmem_shared>>
    tpu.enqueue_indirect_dma source(%dma_start3A_159 : memref<4096x128xf32, #tpu.memory_space<vmem_shared>>) target(%arg12 : memref<128x128xf32, #tpu.memory_space<vmem>>) offsets(%arg7 : memref<128xi32, #tpu.memory_space<vmem>>) semaphore(%arg22 : memref<!tpu.dma_semaphore, #tpu.memory_space<semaphore_mem>>)
    %dma_wait3A_160 = arith.constant 0 : i32
    %dma_wait3A_161 = arith.constant 0 : i32
    %dma_wait3A_162 = tpu.memref_slice %arg31[%dma_wait3A_160, %dma_wait3A_161] : memref<4096x128xf32, #tpu.memory_space<vmem_shared>> -> memref<4096x128xf32, #tpu.memory_space<vmem_shared>>
    tpu.wait_indirect_dma semaphore(%arg21 : memref<!tpu.dma_semaphore, #tpu.memory_space<semaphore_mem>>) src(%dma_wait3A_162 : memref<4096x128xf32, #tpu.memory_space<vmem_shared>>) dst(%arg11 : memref<128x128xf32, #tpu.memory_space<vmem>>)
    %add3A_163 = arith.constant 101760 : i32
    %add3A_164 = arith.addi %mul3A_21, %add3A_163 : i32
    %dma_start3A_165 = arith.constant 0 : i32
    %dma_start3A_166 = tpu.memref_slice %arg5[%add3A_164, %dma_start3A_165] : memref<3276800x128xf32, #tpu.memory_space<hbm>> -> memref<128x128xf32, #tpu.memory_space<hbm>>
    %dma_start3A_167 = arith.constant 0 : i32
    %dma_start3A_168 = tpu.memref_slice %arg5[%add3A_164, %dma_start3A_167] : memref<3276800x128xf32, #tpu.memory_space<hbm>> -> memref<128x128xf32, #tpu.memory_space<hbm>>
    tpu.enqueue_dma source(%arg11 : memref<128x128xf32, #tpu.memory_space<vmem>>) target(%dma_start3A_168 : memref<128x128xf32, #tpu.memory_space<hbm>>) target_semaphore(%arg26 : memref<!tpu.dma_semaphore, #tpu.memory_space<semaphore_mem>>)
    %add3A_169 = arith.constant 102016 : i32
    %add3A_170 = arith.addi %mul3A_21, %add3A_169 : i32
    %dma_start3A_171 = tpu.memref_slice %arg2[%add3A_170] : memref<3276800xi32, #tpu.memory_space<hbm>> -> memref<128xi32, #tpu.memory_space<hbm>>
    %dma_start3A_172 = tpu.memref_slice %arg2[%add3A_170] : memref<3276800xi32, #tpu.memory_space<hbm>> -> memref<128xi32, #tpu.memory_space<hbm>>
    tpu.enqueue_dma source(%dma_start3A_172 : memref<128xi32, #tpu.memory_space<hbm>>) target(%arg8 : memref<128xi32, #tpu.memory_space<vmem>>) target_semaphore(%arg18 : memref<!tpu.dma_semaphore, #tpu.memory_space<semaphore_mem>>)
    %dma_wait3A_173 = arith.constant 0 : i32
    %dma_wait3A_174 = tpu.memref_slice %arg2[%dma_wait3A_173] : memref<3276800xi32, #tpu.memory_space<hbm>> -> memref<128xi32, #tpu.memory_space<hbm>>
    %dma_wait3A_175 = arith.constant 0 : i32
    %dma_wait3A_176 = tpu.memref_slice %arg2[%dma_wait3A_175] : memref<3276800xi32, #tpu.memory_space<hbm>> -> memref<128xi32, #tpu.memory_space<hbm>>
    tpu.wait_dma2 semaphore(%arg18 : memref<!tpu.dma_semaphore, #tpu.memory_space<semaphore_mem>>) src(%dma_wait3A_176 : memref<128xi32, #tpu.memory_space<hbm>>) dst(%arg8 : memref<128xi32, #tpu.memory_space<vmem>>)
    %dma_wait3A_177 = arith.constant 0 : i32
    %dma_wait3A_178 = arith.constant 0 : i32
    %dma_wait3A_179 = tpu.memref_slice %arg5[%dma_wait3A_177, %dma_wait3A_178] : memref<3276800x128xf32, #tpu.memory_space<hbm>> -> memref<128x128xf32, #tpu.memory_space<hbm>>
    %dma_wait3A_180 = arith.constant 0 : i32
    %dma_wait3A_181 = arith.constant 0 : i32
    %dma_wait3A_182 = tpu.memref_slice %arg5[%dma_wait3A_180, %dma_wait3A_181] : memref<3276800x128xf32, #tpu.memory_space<hbm>> -> memref<128x128xf32, #tpu.memory_space<hbm>>
    tpu.wait_dma2 semaphore(%arg28 : memref<!tpu.dma_semaphore, #tpu.memory_space<semaphore_mem>>) src(%arg13 : memref<128x128xf32, #tpu.memory_space<vmem>>) dst(%dma_wait3A_182 : memref<128x128xf32, #tpu.memory_space<hbm>>)
    %dma_start3A_183 = arith.constant 0 : i32
    %dma_start3A_184 = arith.constant 0 : i32
    %dma_start3A_185 = tpu.memref_slice %arg31[%dma_start3A_183, %dma_start3A_184] : memref<4096x128xf32, #tpu.memory_space<vmem_shared>> -> memref<4096x128xf32, #tpu.memory_space<vmem_shared>>
    tpu.enqueue_indirect_dma source(%dma_start3A_185 : memref<4096x128xf32, #tpu.memory_space<vmem_shared>>) target(%arg13 : memref<128x128xf32, #tpu.memory_space<vmem>>) offsets(%arg8 : memref<128xi32, #tpu.memory_space<vmem>>) semaphore(%arg23 : memref<!tpu.dma_semaphore, #tpu.memory_space<semaphore_mem>>)
    %dma_wait3A_186 = arith.constant 0 : i32
    %dma_wait3A_187 = arith.constant 0 : i32
    %dma_wait3A_188 = tpu.memref_slice %arg31[%dma_wait3A_186, %dma_wait3A_187] : memref<4096x128xf32, #tpu.memory_space<vmem_shared>> -> memref<4096x128xf32, #tpu.memory_space<vmem_shared>>
    tpu.wait_indirect_dma semaphore(%arg22 : memref<!tpu.dma_semaphore, #tpu.memory_space<semaphore_mem>>) src(%dma_wait3A_188 : memref<4096x128xf32, #tpu.memory_space<vmem_shared>>) dst(%arg12 : memref<128x128xf32, #tpu.memory_space<vmem>>)
    %add3A_189 = arith.constant 101888 : i32
    %add3A_190 = arith.addi %mul3A_21, %add3A_189 : i32
    %dma_start3A_191 = arith.constant 0 : i32
    %dma_start3A_192 = tpu.memref_slice %arg5[%add3A_190, %dma_start3A_191] : memref<3276800x128xf32, #tpu.memory_space<hbm>> -> memref<128x128xf32, #tpu.memory_space<hbm>>
    %dma_start3A_193 = arith.constant 0 : i32
    %dma_start3A_194 = tpu.memref_slice %arg5[%add3A_190, %dma_start3A_193] : memref<3276800x128xf32, #tpu.memory_space<hbm>> -> memref<128x128xf32, #tpu.memory_space<hbm>>
    tpu.enqueue_dma source(%arg12 : memref<128x128xf32, #tpu.memory_space<vmem>>) target(%dma_start3A_194 : memref<128x128xf32, #tpu.memory_space<hbm>>) target_semaphore(%arg27 : memref<!tpu.dma_semaphore, #tpu.memory_space<semaphore_mem>>)
    %add3A_195 = arith.constant 102144 : i32
    %add3A_196 = arith.addi %mul3A_21, %add3A_195 : i32
    %dma_start3A_197 = tpu.memref_slice %arg2[%add3A_196] : memref<3276800xi32, #tpu.memory_space<hbm>> -> memref<128xi32, #tpu.memory_space<hbm>>
    %dma_start3A_198 = tpu.memref_slice %arg2[%add3A_196] : memref<3276800xi32, #tpu.memory_space<hbm>> -> memref<128xi32, #tpu.memory_space<hbm>>
    tpu.enqueue_dma source(%dma_start3A_198 : memref<128xi32, #tpu.memory_space<hbm>>) target(%arg9 : memref<128xi32, #tpu.memory_space<vmem>>) target_semaphore(%arg19 : memref<!tpu.dma_semaphore, #tpu.memory_space<semaphore_mem>>)
    %dma_wait3A_199 = arith.constant 0 : i32
    %dma_wait3A_200 = tpu.memref_slice %arg2[%dma_wait3A_199] : memref<3276800xi32, #tpu.memory_space<hbm>> -> memref<128xi32, #tpu.memory_space<hbm>>
    %dma_wait3A_201 = arith.constant 0 : i32
    %dma_wait3A_202 = tpu.memref_slice %arg2[%dma_wait3A_201] : memref<3276800xi32, #tpu.memory_space<hbm>> -> memref<128xi32, #tpu.memory_space<hbm>>
    tpu.wait_dma2 semaphore(%arg19 : memref<!tpu.dma_semaphore, #tpu.memory_space<semaphore_mem>>) src(%dma_wait3A_202 : memref<128xi32, #tpu.memory_space<hbm>>) dst(%arg9 : memref<128xi32, #tpu.memory_space<vmem>>)
    %dma_wait3A_203 = arith.constant 0 : i32
    %dma_wait3A_204 = arith.constant 0 : i32
    %dma_wait3A_205 = tpu.memref_slice %arg5[%dma_wait3A_203, %dma_wait3A_204] : memref<3276800x128xf32, #tpu.memory_space<hbm>> -> memref<128x128xf32, #tpu.memory_space<hbm>>
    %dma_wait3A_206 = arith.constant 0 : i32
    %dma_wait3A_207 = arith.constant 0 : i32
    %dma_wait3A_208 = tpu.memref_slice %arg5[%dma_wait3A_206, %dma_wait3A_207] : memref<3276800x128xf32, #tpu.memory_space<hbm>> -> memref<128x128xf32, #tpu.memory_space<hbm>>
    tpu.wait_dma2 semaphore(%arg29 : memref<!tpu.dma_semaphore, #tpu.memory_space<semaphore_mem>>) src(%arg14 : memref<128x128xf32, #tpu.memory_space<vmem>>) dst(%dma_wait3A_208 : memref<128x128xf32, #tpu.memory_space<hbm>>)
    %dma_start3A_209 = arith.constant 0 : i32
    %dma_start3A_210 = arith.constant 0 : i32
    %dma_start3A_211 = tpu.memref_slice %arg31[%dma_start3A_209, %dma_start3A_210] : memref<4096x128xf32, #tpu.memory_space<vmem_shared>> -> memref<4096x128xf32, #tpu.memory_space<vmem_shared>>
    tpu.enqueue_indirect_dma source(%dma_start3A_211 : memref<4096x128xf32, #tpu.memory_space<vmem_shared>>) target(%arg14 : memref<128x128xf32, #tpu.memory_space<vmem>>) offsets(%arg9 : memref<128xi32, #tpu.memory_space<vmem>>) semaphore(%arg24 : memref<!tpu.dma_semaphore, #tpu.memory_space<semaphore_mem>>)
    %dma_wait3A_212 = arith.constant 0 : i32
    %dma_wait3A_213 = arith.constant 0 : i32
    %dma_wait3A_214 = tpu.memref_slice %arg31[%dma_wait3A_212, %dma_wait3A_213] : memref<4096x128xf32, #tpu.memory_space<vmem_shared>> -> memref<4096x128xf32, #tpu.memory_space<vmem_shared>>
    tpu.wait_indirect_dma semaphore(%arg23 : memref<!tpu.dma_semaphore, #tpu.memory_space<semaphore_mem>>) src(%dma_wait3A_214 : memref<4096x128xf32, #tpu.memory_space<vmem_shared>>) dst(%arg13 : memref<128x128xf32, #tpu.memory_space<vmem>>)
    %add3A_215 = arith.constant 102016 : i32
    %add3A_216 = arith.addi %mul3A_21, %add3A_215 : i32
    %dma_start3A_217 = arith.constant 0 : i32
    %dma_start3A_218 = tpu.memref_slice %arg5[%add3A_216, %dma_start3A_217] : memref<3276800x128xf32, #tpu.memory_space<hbm>> -> memref<128x128xf32, #tpu.memory_space<hbm>>
    %dma_start3A_219 = arith.constant 0 : i32
    %dma_start3A_220 = tpu.memref_slice %arg5[%add3A_216, %dma_start3A_219] : memref<3276800x128xf32, #tpu.memory_space<hbm>> -> memref<128x128xf32, #tpu.memory_space<hbm>>
    tpu.enqueue_dma source(%arg13 : memref<128x128xf32, #tpu.memory_space<vmem>>) target(%dma_start3A_220 : memref<128x128xf32, #tpu.memory_space<hbm>>) target_semaphore(%arg28 : memref<!tpu.dma_semaphore, #tpu.memory_space<semaphore_mem>>)
    %add3A_221 = arith.constant 102272 : i32
    %add3A_222 = arith.addi %mul3A_21, %add3A_221 : i32
    %dma_start3A_223 = tpu.memref_slice %arg2[%add3A_222] : memref<3276800xi32, #tpu.memory_space<hbm>> -> memref<128xi32, #tpu.memory_space<hbm>>
    %dma_start3A_224 = tpu.memref_slice %arg2[%add3A_222] : memref<3276800xi32, #tpu.memory_space<hbm>> -> memref<128xi32, #tpu.memory_space<hbm>>
    tpu.enqueue_dma source(%dma_start3A_224 : memref<128xi32, #tpu.memory_space<hbm>>) target(%arg10 : memref<128xi32, #tpu.memory_space<vmem>>) target_semaphore(%arg20 : memref<!tpu.dma_semaphore, #tpu.memory_space<semaphore_mem>>)
    %dma_wait3A_225 = arith.constant 0 : i32
    %dma_wait3A_226 = tpu.memref_slice %arg2[%dma_wait3A_225] : memref<3276800xi32, #tpu.memory_space<hbm>> -> memref<128xi32, #tpu.memory_space<hbm>>
    %dma_wait3A_227 = arith.constant 0 : i32
    %dma_wait3A_228 = tpu.memref_slice %arg2[%dma_wait3A_227] : memref<3276800xi32, #tpu.memory_space<hbm>> -> memref<128xi32, #tpu.memory_space<hbm>>
    tpu.wait_dma2 semaphore(%arg20 : memref<!tpu.dma_semaphore, #tpu.memory_space<semaphore_mem>>) src(%dma_wait3A_228 : memref<128xi32, #tpu.memory_space<hbm>>) dst(%arg10 : memref<128xi32, #tpu.memory_space<vmem>>)
    %dma_wait3A_229 = arith.constant 0 : i32
    %dma_wait3A_230 = arith.constant 0 : i32
    %dma_wait3A_231 = tpu.memref_slice %arg5[%dma_wait3A_229, %dma_wait3A_230] : memref<3276800x128xf32, #tpu.memory_space<hbm>> -> memref<128x128xf32, #tpu.memory_space<hbm>>
    %dma_wait3A_232 = arith.constant 0 : i32
    %dma_wait3A_233 = arith.constant 0 : i32
    %dma_wait3A_234 = tpu.memref_slice %arg5[%dma_wait3A_232, %dma_wait3A_233] : memref<3276800x128xf32, #tpu.memory_space<hbm>> -> memref<128x128xf32, #tpu.memory_space<hbm>>
    tpu.wait_dma2 semaphore(%arg30 : memref<!tpu.dma_semaphore, #tpu.memory_space<semaphore_mem>>) src(%arg15 : memref<128x128xf32, #tpu.memory_space<vmem>>) dst(%dma_wait3A_234 : memref<128x128xf32, #tpu.memory_space<hbm>>)
    %dma_start3A_235 = arith.constant 0 : i32
    %dma_start3A_236 = arith.constant 0 : i32
    %dma_start3A_237 = tpu.memref_slice %arg31[%dma_start3A_235, %dma_start3A_236] : memref<4096x128xf32, #tpu.memory_space<vmem_shared>> -> memref<4096x128xf32, #tpu.memory_space<vmem_shared>>
    tpu.enqueue_indirect_dma source(%dma_start3A_237 : memref<4096x128xf32, #tpu.memory_space<vmem_shared>>) target(%arg15 : memref<128x128xf32, #tpu.memory_space<vmem>>) offsets(%arg10 : memref<128xi32, #tpu.memory_space<vmem>>) semaphore(%arg25 : memref<!tpu.dma_semaphore, #tpu.memory_space<semaphore_mem>>)
    %dma_wait3A_238 = arith.constant 0 : i32
    %dma_wait3A_239 = arith.constant 0 : i32
    %dma_wait3A_240 = tpu.memref_slice %arg31[%dma_wait3A_238, %dma_wait3A_239] : memref<4096x128xf32, #tpu.memory_space<vmem_shared>> -> memref<4096x128xf32, #tpu.memory_space<vmem_shared>>
    tpu.wait_indirect_dma semaphore(%arg24 : memref<!tpu.dma_semaphore, #tpu.memory_space<semaphore_mem>>) src(%dma_wait3A_240 : memref<4096x128xf32, #tpu.memory_space<vmem_shared>>) dst(%arg14 : memref<128x128xf32, #tpu.memory_space<vmem>>)
    %add3A_241 = arith.constant 102144 : i32
    %add3A_242 = arith.addi %mul3A_21, %add3A_241 : i32
    %dma_start3A_243 = arith.constant 0 : i32
    %dma_start3A_244 = tpu.memref_slice %arg5[%add3A_242, %dma_start3A_243] : memref<3276800x128xf32, #tpu.memory_space<hbm>> -> memref<128x128xf32, #tpu.memory_space<hbm>>
    %dma_start3A_245 = arith.constant 0 : i32
    %dma_start3A_246 = tpu.memref_slice %arg5[%add3A_242, %dma_start3A_245] : memref<3276800x128xf32, #tpu.memory_space<hbm>> -> memref<128x128xf32, #tpu.memory_space<hbm>>
    tpu.enqueue_dma source(%arg14 : memref<128x128xf32, #tpu.memory_space<vmem>>) target(%dma_start3A_246 : memref<128x128xf32, #tpu.memory_space<hbm>>) target_semaphore(%arg29 : memref<!tpu.dma_semaphore, #tpu.memory_space<semaphore_mem>>)
    %dma_wait3A_247 = arith.constant 0 : i32
    %dma_wait3A_248 = arith.constant 0 : i32
    %dma_wait3A_249 = tpu.memref_slice %arg31[%dma_wait3A_247, %dma_wait3A_248] : memref<4096x128xf32, #tpu.memory_space<vmem_shared>> -> memref<4096x128xf32, #tpu.memory_space<vmem_shared>>
    tpu.wait_indirect_dma semaphore(%arg25 : memref<!tpu.dma_semaphore, #tpu.memory_space<semaphore_mem>>) src(%dma_wait3A_249 : memref<4096x128xf32, #tpu.memory_space<vmem_shared>>) dst(%arg15 : memref<128x128xf32, #tpu.memory_space<vmem>>)
    %add3A_250 = arith.constant 102272 : i32
    %add3A_251 = arith.addi %mul3A_21, %add3A_250 : i32
    %dma_start3A_252 = arith.constant 0 : i32
    %dma_start3A_253 = tpu.memref_slice %arg5[%add3A_251, %dma_start3A_252] : memref<3276800x128xf32, #tpu.memory_space<hbm>> -> memref<128x128xf32, #tpu.memory_space<hbm>>
    %dma_start3A_254 = arith.constant 0 : i32
    %dma_start3A_255 = tpu.memref_slice %arg5[%add3A_251, %dma_start3A_254] : memref<3276800x128xf32, #tpu.memory_space<hbm>> -> memref<128x128xf32, #tpu.memory_space<hbm>>
    tpu.enqueue_dma source(%arg15 : memref<128x128xf32, #tpu.memory_space<vmem>>) target(%dma_start3A_255 : memref<128x128xf32, #tpu.memory_space<hbm>>) target_semaphore(%arg30 : memref<!tpu.dma_semaphore, #tpu.memory_space<semaphore_mem>>)
    %dma_wait3A_256 = arith.constant 0 : i32
    %dma_wait3A_257 = arith.constant 0 : i32
    %dma_wait3A_258 = tpu.memref_slice %arg5[%dma_wait3A_256, %dma_wait3A_257] : memref<3276800x128xf32, #tpu.memory_space<hbm>> -> memref<128x128xf32, #tpu.memory_space<hbm>>
    %dma_wait3A_259 = arith.constant 0 : i32
    %dma_wait3A_260 = arith.constant 0 : i32
    %dma_wait3A_261 = tpu.memref_slice %arg5[%dma_wait3A_259, %dma_wait3A_260] : memref<3276800x128xf32, #tpu.memory_space<hbm>> -> memref<128x128xf32, #tpu.memory_space<hbm>>
    tpu.wait_dma2 semaphore(%arg26 : memref<!tpu.dma_semaphore, #tpu.memory_space<semaphore_mem>>) src(%arg11 : memref<128x128xf32, #tpu.memory_space<vmem>>) dst(%dma_wait3A_261 : memref<128x128xf32, #tpu.memory_space<hbm>>)
    %dma_wait3A_262 = arith.constant 0 : i32
    %dma_wait3A_263 = arith.constant 0 : i32
    %dma_wait3A_264 = tpu.memref_slice %arg5[%dma_wait3A_262, %dma_wait3A_263] : memref<3276800x128xf32, #tpu.memory_space<hbm>> -> memref<128x128xf32, #tpu.memory_space<hbm>>
    %dma_wait3A_265 = arith.constant 0 : i32
    %dma_wait3A_266 = arith.constant 0 : i32
    %dma_wait3A_267 = tpu.memref_slice %arg5[%dma_wait3A_265, %dma_wait3A_266] : memref<3276800x128xf32, #tpu.memory_space<hbm>> -> memref<128x128xf32, #tpu.memory_space<hbm>>
    tpu.wait_dma2 semaphore(%arg27 : memref<!tpu.dma_semaphore, #tpu.memory_space<semaphore_mem>>) src(%arg12 : memref<128x128xf32, #tpu.memory_space<vmem>>) dst(%dma_wait3A_267 : memref<128x128xf32, #tpu.memory_space<hbm>>)
    %dma_wait3A_268 = arith.constant 0 : i32
    %dma_wait3A_269 = arith.constant 0 : i32
    %dma_wait3A_270 = tpu.memref_slice %arg5[%dma_wait3A_268, %dma_wait3A_269] : memref<3276800x128xf32, #tpu.memory_space<hbm>> -> memref<128x128xf32, #tpu.memory_space<hbm>>
    %dma_wait3A_271 = arith.constant 0 : i32
    %dma_wait3A_272 = arith.constant 0 : i32
    %dma_wait3A_273 = tpu.memref_slice %arg5[%dma_wait3A_271, %dma_wait3A_272] : memref<3276800x128xf32, #tpu.memory_space<hbm>> -> memref<128x128xf32, #tpu.memory_space<hbm>>
    tpu.wait_dma2 semaphore(%arg28 : memref<!tpu.dma_semaphore, #tpu.memory_space<semaphore_mem>>) src(%arg13 : memref<128x128xf32, #tpu.memory_space<vmem>>) dst(%dma_wait3A_273 : memref<128x128xf32, #tpu.memory_space<hbm>>)
    %dma_wait3A_274 = arith.constant 0 : i32
    %dma_wait3A_275 = arith.constant 0 : i32
    %dma_wait3A_276 = tpu.memref_slice %arg5[%dma_wait3A_274, %dma_wait3A_275] : memref<3276800x128xf32, #tpu.memory_space<hbm>> -> memref<128x128xf32, #tpu.memory_space<hbm>>
    %dma_wait3A_277 = arith.constant 0 : i32
    %dma_wait3A_278 = arith.constant 0 : i32
    %dma_wait3A_279 = tpu.memref_slice %arg5[%dma_wait3A_277, %dma_wait3A_278] : memref<3276800x128xf32, #tpu.memory_space<hbm>> -> memref<128x128xf32, #tpu.memory_space<hbm>>
    tpu.wait_dma2 semaphore(%arg29 : memref<!tpu.dma_semaphore, #tpu.memory_space<semaphore_mem>>) src(%arg14 : memref<128x128xf32, #tpu.memory_space<vmem>>) dst(%dma_wait3A_279 : memref<128x128xf32, #tpu.memory_space<hbm>>)
    %dma_wait3A_280 = arith.constant 0 : i32
    %dma_wait3A_281 = arith.constant 0 : i32
    %dma_wait3A_282 = tpu.memref_slice %arg5[%dma_wait3A_280, %dma_wait3A_281] : memref<3276800x128xf32, #tpu.memory_space<hbm>> -> memref<128x128xf32, #tpu.memory_space<hbm>>
    %dma_wait3A_283 = arith.constant 0 : i32
    %dma_wait3A_284 = arith.constant 0 : i32
    %dma_wait3A_285 = tpu.memref_slice %arg5[%dma_wait3A_283, %dma_wait3A_284] : memref<3276800x128xf32, #tpu.memory_space<hbm>> -> memref<128x128xf32, #tpu.memory_space<hbm>>
    tpu.wait_dma2 semaphore(%arg30 : memref<!tpu.dma_semaphore, #tpu.memory_space<semaphore_mem>>) src(%arg15 : memref<128x128xf32, #tpu.memory_space<vmem>>) dst(%dma_wait3A_285 : memref<128x128xf32, #tpu.memory_space<hbm>>)
    return
  }
}

</mosaic_0001>

<sc_bundles>
// kernel: kernel.3.cloned.1.call-start
scs
__scs_entry_jumppad:
0x0: {  	(pc) =	sbr.rel $0x88, $3  }
0x1: {  	(tag) =	ssettag $0x0;
	lr =	simm.s32 $0x1  }
0x2: {  	[smem:$0x3F9D] =	sst lr;
	_ =	strace $0xD0000000  }
0x3: {  	_ = 	snop  }
0x4: {  	_ = 	snop  }
0x5: {  	_ = 	snop  }
0x6: {  	_ = 	snop  }
0x7: {  	_ = 	snop  }
__scs_overlays_trampoline_lowered:
0x8: {  	[smem:$0x3FAC] =	sst s0  }
0x9: {  	[smem:$0x3FAD] =	sst s1  }
0xa: {  	[smem:$0x3FAE] =	sst s2  }
0xb: {  	[smem:$0x3FAF] =	sst s3  }
0xc: {  	[smem:$0x3FB0] =	sst s4  }
0xd: {  	[smem:$0x3FB1] =	sst s5  }
0xe: {  	[smem:$0x3FB2] =	sst s6  }
0xf: {  	[smem:$0x3FB3] =	sst s7  }
0x10: {  	[smem:$0x3FB4] =	sst s8  }
0x11: {  	[smem:$0x3FB5] =	sst s9;
	s0 =	simm.s32 @!p0 $0x0  }
0x12: {  	s1 =	sld [smem:$0x3F9B];
	s0 =	simm.s32 @p0 $0x1  }
0x13: {  	[smem:$0x3FB6] =	sst s0;
	s0 =	simm.s32 @!p1 $0x0  }
0x14: {  	s2 =	sld [smem:$0x3F9A];
	s0 =	simm.s32 @p1 $0x1  }
0x15: {  	[smem:$0x3FB7] =	sst s0;
	s0 =	simm.s32 @!p2 $0x0  }
0x16: {  	s3 =	sld [smem:$0x3FDB];
	s0 =	simm.s32 @p2 $0x1  }
0x17: {  	s4 =	simm.s32 $0x1BF5;
	[smem:$0x3FB9] =	sst s0  }
0x18: {  	s0 =	sld [smem:$0x3F9C];
	_ =	swait.ge [sflag:s4], $0x0  }
0x19: {  	s7 =	sld [smem:$0x3F9D]  }
0x1a: {  	s8 =	sadd.s32 $0xFFFFE003, lr  }
0x1b: {  	s9 =	sadd.s32 $0xFFFFFEF7, lr;
	s5 =	simm.s32 $0xFFFFFFFF;
	p2 =	slt.u32 s8, $0xFFFFF086  }
0x1c: {  	p1 =	slt.u32 s9, $0xF7A;
	s5 =	simm.s32 @!p2 $0x0  }
0x1d: {  	s5 =	simm.s32 @p1 $0x1;
	p0 =	seq.s32 s7, s2  }
0x1e: {  	s7 =	smul.u32 @!p0 $0xF7A, s2;
	p2 =	seq.s32 @!p0 s5, $0x0  }
0x1f: {  	s9 =	smul.u32 $0xF7A, s1;
	s8 =	simm.s32 @!p0 $0x1BF5;
	p2 =	por !p2, p0  }
0x20: {  	[sflag:s8] =	ssyncset.s32 @!p0 $0xFFFFF086;
	s6 =	sadd.s32 @!p0 s3, s7;
	s7 =	simm.s32 @!p0 $0x108  }
0x21: {  	s3 =	sadd.s32 s3, s9;
	s6 =	sadd.s32 @!p0 $0x88, s6;
	s7 =	simm.s32 @p2 $0x1082  }
0x22: {  	[simem:s7], [sflag:s8] =	dma.local @!p0 [hbm:s6], $0xF7A  }
0x23: {  	s9 =	sor.u32 $0xD0000000, s2;
	s6 =	simm.s32 $0x108;
	_ =	swait.ge @!p0 [sflag:s8], $0x0  }
0x24: {  	s3 =	sadd.s32 $0x88, s3;
	s6 =	simm.s32 @!p1 $0x1082;
	[sflag:s4] =	ssyncset.s32 $0xFFFFF086  }
0x25: {  	[simem:s6], [sflag:s4] =	dma.local [hbm:s3], $0xF7A  }
0x26: {  	[smem:$0x3F9D] =	sst s1;
	(tag) =	ssettag s2;
	_ =	strace s9  }
0x27: {  	s1 =	sld [smem:$0x3FAD]  }
0x28: {  	s2 =	sld [smem:$0x3FAE]  }
0x29: {  	s4 =	sld [smem:$0x3FB0]  }
0x2a: {  	p0 =	seq.s32 s5, $0x0;
	s5 =	sld [smem:$0x3FB1]  }
0x2b: {  	s6 =	sld [smem:$0x3FB2]  }
0x2c: {  	s7 =	sld [smem:$0x3FB3]  }
0x2d: {  	s3 =	simm.s32 $0x108;
	s8 =	sld [smem:$0x3FB4]  }
0x2e: {  	s3 =	simm.s32 @!p0 $0x1082;
	s9 =	sld [smem:$0x3FB5]  }
0x2f: {  	lr =	sadd.s32 s0, s3;
	s0 =	sld [smem:$0x3FAC]  }
0x30: {  	s3 =	sld [smem:$0x3FAF]  }
0x31: {  	[smem:$0x3FB8] =	sst s10  }
0x32: {  	s10 =	sld [smem:$0x3FB6];
	_ =	sdelay $0x3  }
0x33: {  	p0 =	seq.s32 s10, $0x1;
	s10 =	sld [smem:$0x3FB8];
	_ =	sdelay $0x3  }
0x34: {  	[smem:$0x3FB8] =	sst s10  }
0x35: {  	s10 =	sld [smem:$0x3FB7];
	_ =	sdelay $0x3  }
0x36: {  	p1 =	seq.s32 s10, $0x1;
	s10 =	sld [smem:$0x3FB8];
	_ =	sdelay $0x3  }
0x37: {  	[smem:$0x3FB8] =	sst s10  }
0x38: {  	s10 =	sld [smem:$0x3FB9]  }
0x39: {  	_ = 	snop;
	(pc) =	sbr.ind lr, $3  }
0x3a: {  	_ = 	snop  }
0x3b: {  	_ = 	snop  }
0x3c: {  	p2 =	seq.s32 s10, $0x1;
	s10 =	sld [smem:$0x3FB8]  }
0x3d: {  	_ =	shalt  }
0x3e: {  	_ =	shalt  }
0x3f: {  	_ =	shalt  }
0x40: {  	_ =	shalt  }
0x41: {  	_ =	shalt  }
0x42: {  	_ =	shalt  }
0x43: {  	_ =	shalt  }
0x44: {  	_ =	shalt  }
0x45: {  	_ =	shalt  }
0x46: {  	_ =	shalt  }
0x47: {  	_ =	shalt  }
0x48: {  	_ =	shalt  }
0x49: {  	_ =	shalt  }
0x4a: {  	_ =	shalt  }
0x4b: {  	_ =	shalt  }
0x4c: {  	_ =	shalt  }
0x4d: {  	_ =	shalt  }
0x4e: {  	_ =	shalt  }
0x4f: {  	_ =	shalt  }
0x50: {  	_ =	shalt  }
0x51: {  	_ =	shalt  }
0x52: {  	_ =	shalt  }
0x53: {  	_ =	shalt  }
0x54: {  	_ =	shalt  }
0x55: {  	_ =	shalt  }
0x56: {  	_ =	shalt  }
0x57: {  	_ =	shalt  }
0x58: {  	_ =	shalt  }
0x59: {  	_ =	shalt  }
0x5a: {  	_ =	shalt  }
0x5b: {  	_ =	shalt  }
0x5c: {  	_ =	shalt  }
0x5d: {  	_ =	shalt  }
0x5e: {  	_ =	shalt  }
0x5f: {  	_ =	shalt  }
0x60: {  	_ =	shalt  }
0x61: {  	_ =	shalt  }
0x62: {  	_ =	shalt  }
0x63: {  	_ =	shalt  }
0x64: {  	_ =	shalt  }
0x65: {  	_ =	shalt  }
0x66: {  	_ =	shalt  }
0x67: {  	_ =	shalt  }
0x68: {  	_ =	shalt  }
0x69: {  	_ =	shalt  }
0x6a: {  	_ =	shalt  }
0x6b: {  	_ =	shalt  }
0x6c: {  	_ =	shalt  }
0x6d: {  	_ =	shalt  }
0x6e: {  	_ =	shalt  }
0x6f: {  	_ =	shalt  }
0x70: {  	_ =	shalt  }
0x71: {  	_ =	shalt  }
0x72: {  	_ =	shalt  }
0x73: {  	_ =	shalt  }
0x74: {  	_ =	shalt  }
0x75: {  	_ =	shalt  }
0x76: {  	_ =	shalt  }
0x77: {  	_ =	shalt  }
0x78: {  	_ =	shalt  }
0x79: {  	_ =	shalt  }
0x7a: {  	_ =	shalt  }
0x7b: {  	_ =	shalt  }
0x7c: {  	_ =	shalt  }
0x7d: {  	_ =	shalt  }
0x7e: {  	_ =	shalt  }
0x7f: {  	_ =	shalt  }
0x80: {  	_ =	shalt  }
0x81: {  	_ =	shalt  }
0x82: {  	_ =	shalt  }
0x83: {  	_ =	shalt  }
0x84: {  	_ =	shalt  }
0x85: {  	_ =	shalt  }
0x86: {  	_ =	shalt  }
0x87: {  	_ =	shalt  }
.Lfunc_end0:
.L_simem_size_0:
called_computation_lowered:
.L_overlay_start_0:
0x88: {  	s2 =	sld [smem:$0x3FD9]  }
0x89: {  	s3 =	sld [smem:$0x3FFE];
	_ =	sdelay $0x1  }
0x8a: {  	s1 =	srdreg.scid  }
0x8b: {  	s0 =	sand.u32 $0x1, s1  }
0x8c: {  	s17 =	sshll.u32 s0, $0xA;
	s2 =	sadd.s32 s3, s2  }
0x8d: {  	s2 =	sadd.s32 s2, s17  }
0x8e: {  	[smem:$0x3FC4] =	sst s2  }
0x8f: {  	_ = 	snop  }
0x90: {  	s2 =	sld [smem:$0x3FC7]  }
0x91: {  	s18 =	sld [smem:$0x3FC6]  }
0x92: {  	s4 =	sld [smem:$0x3FD0];
	(tm) =	ssettm $0x1  }
0x93: {  	s5 =	sld [smem:$0x3FFB];
	_ =	sdelay $0x3  }
0x94: {  	_ =	strace s5  }
0x95: {  	s5 =	sld [smem:$0x3FFC];
	_ =	sdelay $0x3  }
0x96: {  	_ =	strace s5  }
0x97: {  	s5 =	sld [smem:$0x3FFD];
	_ =	sdelay $0x3  }
0x98: {  	_ =	strace s5  }
0x99: {  	_ =	strace $0x8FFFFFFF  }
0x9a: {  	s19 =	sld [smem:$0x3FDB];
	_ =	sdelay $0x1  }
0x9b: {  	s6 =	simm.s32 $_scs_section_size  }
0x9c: {  	s7 =	simm.s32 $_size__tile_overlayer_lowered;
	s8 =	simm.s32 $_tile_overlayer_lowered  }
0x9d: {  	s22 =	simm.s32 $0x1BFF;
	s21 =	sshll.u32 s8, $0x1;
	s5 =	sadd.s32 s6, s19  }
0x9e: {  	s9 =	simm.s32 $0x0;
	s20 =	sshll.u32 s7, $0x1;
	s7 =	sadd.s32 s21, s5  }
0x9f: {  	[timem:s9], [sflag:s22] =	dma.local [hbm:s7], s20  }
0xa0: {  	_ =	swait.ge [sflag:s22], s20  }
0xa1: {  	s6 =	ssub.s32 $0x0, s20;
	[sflag:s22] =	ssyncset.done $0x0  }
0xa2: {  	[sflag:s22] =	ssyncadd.s32 s6;
	_ =	sdelay $0x1  }
0xa3: {  	s23 =	simm.s32 $0x1B8B  }
0xa4: {  	_ =	swait.ge [sflag:s23], $0x1  }
0xa5: {  	[sflag:s23] =	ssyncset.done $0x0  }
0xa6: {  	s25 =	simm.s32 $0x1B8E;
	s24 =	sld [smem:$0x3FFE];
	[sflag:s23] =	ssyncadd.s32 $0xFFFFFFFF  }
0xa7: {  	s26 =	simm.s32 $execute0_lowered;
	[smem:$0x3FD2] =	sst s25  }
0xa8: {  	s7 =	sshll.u32 s26, $0x1;
	_ =	strace $0x80000046;
	[dreg:$0x1] =	wrdreg $0xFFFFFFFF  }
0xa9: {  	s28 =	simm.s32 $_size_execute0_lowered;
	s5 =	sadd.s32 s5, s7;
	[dreg:$0x0] =	wrdreg $0x0  }
0xaa: {  	s7 =	sshll.u32 s28, $0x1;
	[dreg:$0x2] =	wrdreg s5  }
0xab: {  	[dreg:$0x3] =	wrdreg s7  }
0xac: {  	[dreg:$0x4] =	wrdreg $0xC0  }
0xad: {  	_ =	task [dreg:s9], $0x5FFFF  }
0xae: {  	[dreg:$0x1] =	wrdreg $0xFFFFFFFF  }
0xaf: {  	[dreg:$0x0] =	wrdreg $0x60  }
0xb0: {  	[dreg:$0x2] =	wrdreg s24  }
0xb1: {  	[dreg:$0x3] =	wrdreg s2  }
0xb2: {  	[dreg:$0x4] =	wrdreg s18  }
0xb3: {  	[dreg:$0x5] =	wrdreg s4  }
0xb4: {  	[dreg:$0x6] =	wrdreg $0x142800  }
0xb5: {  	[dreg:$0x7] =	wrdreg $0x9  }
0xb6: {  	_ =	task.clear_ibuf [dreg:s9], $0x8FFFF;
	_ =	strace $0x90000046  }
0xb7: {  	s29 =	simm.s32 $0x9;
	_ =	strace $0x80000048  }
0xb8: {  	_ =	swait.ge [sflag:s29], $0x1  }
0xb9: {  	[sflag:s29] =	ssyncadd.s32 $0xFFFFFFFF  }
0xba: {  	_ =	strace $0x90000048  }
0xbb: {  	_ =	sfence  }
0xbc: {  	s30 =	sld [smem:$0x0];
	_ =	sdelay $0x2  }
0xbd: {  	s31 =	sshll.u32 s1, $0xD;
	s1 =	sshrl.u32 s1, $0x2  }
0xbe: {  	s3 =	sand.u32 $0x4000, s31;
	s1 =	sadd.s32 s1, s30  }
0xbf: {  	s0 =	sor.u32 s3, s0;
	s1 =	sshll.u32 s1, $0x11  }
0xc0: {  	s0 =	sor.u32 s1, s0  }
0xc1: {  	s0 =	sadd.s32 $0x8F2B, s0  }
0xc2: {  	[sflag:s0] =	ssyncadd.remote.s32 $0x1  }
0xc3: {  	_ =	sfence.sel $0xFFFF  }
0xc4: {  	[dreg:$0x0] =	wrdreg $0xFFFFFFFF;
	(pc) =	sbr.abs _section_cstart, $3  }
0xc5: {  	[dreg:$0x1] =	wrdreg $0xFFFFFFFF  }
0xc6: {  	_ =	task.clear_ibuf [dreg:s9], $0x2FFFF;
	_ =	strace $0x9FFFFFFF  }
0xc7: {  	(tm) =	ssettm $0x7FFFFFFF  }
tec
execute0_lowered:
.L_overlay_start_1:
0x0: {  	(tag) =	ssettag $0x1  }
0x1: {  	s0 =	rddreg [dreg:$0x0]  }
0x2: {  	s1 =	srdreg.scid;
	s2 =	rddreg [dreg:$0x3]  }
0x3: {  	s19 =	stileid.u32;
	s4 =	rddreg [dreg:$0x4]  }
0x4: {  	s3 =	sand.u32 $0x1, s1;
	s13 =	sshll.u32 s19, $0x1;
	s11 =	smul.u32 $0x32000, s19  }
0x5: {  	s5 =	simm.s32 $0x0;
	s23 =	smul.u32 $0x320000, s19;
	s6 =	sor.u32 s3, s13  }
0x6: {  	s28 =	simm.s32 $0x280;
	s29 =	simm.s32 $0xD;
	s7 =	smul.u32 $0x19000, s6  }
0x7: {  	s30 =	simm.s32 $0xE;
	s8 =	ssub.s32 $0x2, s3;
	s9 =	smul.u32 $0x190000, s6  }
0x8: {  	[smem:$0x7FF] =	sst s5;
	s14 =	sshrl.u32 s8, $0x1;
	s6 =	smul.u32 $0xC80000, s6  }
0x9: {  	s1 =	sadd.s32 $0x400, s0;
	s0 =	ssub.s32 s8, s14;
	s14 =	smul.u32 $0x19000, s3  }
0xa: {  	s31 =	simm.s32 $0xF;
	_ =	strace $0x80000047;
	s3 =	smul.u32 $0x190000, s3  }
0xb: {  	s8 =	sor.u32 $0x80, s7;
	s9 =	sadd.s32 s2, s9;
	s6 =	sshrl.u32 s6, $0x3  }
0xc: {  	s0 =	smax.u32 s0, $0x1;
	[dreg:$0xb] =	wrdreg s9;
	s9 =	sor.u32 $0x100, s7  }
0xd: {  	s10 =	sshll.u32 s8, $0x4;
	s6 =	sadd.s32 s2, s6;
	s11 =	sadd.s32 s14, s11  }
0xe: {  	[dreg:$0x1e] =	wrdreg s0;
	s10 =	sadd.s32 s2, s10;
	s12 =	sshll.u32 s9, $0x4  }
0xf: {  	s18 =	sor.u32 $0x480, s11;
	[dreg:$0xc] =	wrdreg s10;
	s10 =	sor.u32 $0x180, s7  }
0x10: {  	s24 =	sor.u32 $0x400, s11;
	s12 =	sadd.s32 s2, s12;
	s13 =	sshll.u32 s10, $0x4  }
0x11: {  	[dreg:$0xd] =	wrdreg s12;
	s12 =	sadd.s32 $0x18E00, s7;
	s15 =	sadd.s32 s2, s13  }
0x12: {  	s13 =	sadd.s32 $0x18E80, s7;
	s16 =	sshll.u32 s12, $0x4;
	[dreg:$0xe] =	wrdreg s15  }
0x13: {  	s15 =	sor.u32 $0x500, s11;
	s14 =	sadd.s32 s2, s16;
	s16 =	sadd.s32 $0x18F00, s7  }
0x14: {  	s20 =	sshll.u32 s13, $0x4;
	[dreg:$0xf] =	wrdreg s14;
	s17 =	sshrl.u32 s15, $0x3  }
0x15: {  	s15 =	sshrl.u32 s18, $0x3;
	s18 =	sor.u32 $0x380, s11;
	s14 =	sadd.s32 s17, s1  }
0x16: {  	s15 =	sadd.s32 s15, s1;
	s17 =	sshll.u32 s16, $0x4;
	s26 =	sshrl.u32 s18, $0x3  }
0x17: {  	s18 =	sshrl.u32 s8, $0x3;
	s8 =	simm.s32 $0x6;
	[dreg:$0x6] =	wrdreg s14  }
0x18: {  	[dreg:$0x7] =	wrdreg s15;
	s15 =	sadd.s32 $0x18F80, s7;
	s14 =	sadd.s32 s2, s20  }
0x19: {  	s21 =	sadd.s32 s2, s17;
	s17 =	sshrl.u32 s24, $0x3;
	[dreg:$0x10] =	wrdreg s14  }
0x1a: {  	s24 =	sshrl.u32 s12, $0x3;
	[dreg:$0x11] =	wrdreg s21;
	s22 =	sshll.u32 s15, $0x4  }
0x1b: {  	s25 =	sadd.s32 s17, s1;
	s17 =	sshrl.u32 s7, $0x3;
	s21 =	sadd.s32 s1, s18  }
0x1c: {  	s7 =	sshrl.u32 s16, $0x3;
	s16 =	simm.s32 $0xC280;
	s18 =	simm.s32 $0x200  }
0x1d: {  	s14 =	sadd.s32 s2, s22;
	s2 =	sadd.s32 s23, s2;
	[dreg:$0x8] =	wrdreg s25  }
0x1e: {  	s20 =	sadd.s32 s1, s17;
	[dreg:$0x14] =	wrdreg s21;
	s22 =	sshrl.u32 s9, $0x3  }
0x1f: {  	s23 =	sshrl.u32 s10, $0x3;
	s25 =	sadd.s32 s1, s24;
	s9 =	sor.u32 $0x300, s11  }
0x20: {  	s10 =	sshrl.u32 s15, $0x3;
	s11 =	sshll.u32 s19, $0xF;
	s21 =	sadd.s32 $0x18D000, s6  }
0x21: {  	s15 =	simm.s32 $0x4;
	s17 =	simm.s32 $0x8;
	[dreg:$0x12] =	wrdreg s14  }
0x22: {  	s2 =	sadd.s32 s3, s2;
	s14 =	sadd.s32 s26, s1;
	[dreg:$0x17] =	wrdreg s25  }
0x23: {  	s3 =	sadd.s32 s1, s22;
	s26 =	sshrl.u32 s13, $0x3;
	[dreg:$0x1c] =	wrdreg s21  }
0x24: {  	s12 =	sadd.s32 s11, s4;
	s13 =	sshll.u32 s19, $0x9;
	[dreg:$0x13] =	wrdreg s20  }
0x25: {  	s22 =	sadd.s32 $0x18D800, s6;
	s25 =	sadd.s32 $0x40, s20;
	[dreg:$0x9] =	wrdreg s14  }
0x26: {  	s6 =	simm.s32 $0x80;
	s11 =	simm.s32 $0x8280;
	[dreg:$0x15] =	wrdreg s3  }
0x27: {  	s21 =	simm.s32 $0x9;
	s3 =	sadd.s32 s1, s23;
	[dreg:$0x1d] =	wrdreg s22  }
0x28: {  	s14 =	sadd.s32 $0x280, s13;
	s23 =	sadd.s32 $0x4000, s2;
	[dreg:$0x1b] =	wrdreg s12  }
0x29: {  	s24 =	sadd.s32 $0x4000, s12;
	[smem:$0x7FB] =	sst s25;
	s2 =	simm.s32 $0x1  }
0x2a: {  	s12 =	simm.s32 $0x7;
	s13 =	simm.s32 $0x180;
	[dreg:$0x16] =	wrdreg s3  }
0x2b: {  	s25 =	simm.s32 $0xC;
	s3 =	sadd.s32 s1, s26;
	[dreg:$0x1f] =	wrdreg s23  }
0x2c: {  	[smem:$0x7FA] =	sst s24;
	s26 =	sadd.s32 $0x50, s20;
	s20 =	simm.s32 $0x10280  }
0x2d: {  	s23 =	simm.s32 $0xB;
	s24 =	simm.s32 $0xA;
	[dreg:$0x18] =	wrdreg s3  }
0x2e: {  	s3 =	sadd.s32 s1, s7;
	s7 =	sshrl.u32 s9, $0x3;
	[smem:$0x7FC] =	sst s26  }
0x2f: {  	v0 =	vmov s14;
	s9 =	simm.s32 $0x100;
	[dreg:$0x19] =	wrdreg s3;
	s3 =	sadd.s32 s1, s10  }
0x30: {  	s1 =	sadd.s32 s7, s1;
	s7 =	simm.s32 $0x2;
	[dreg:$0x1a] =	wrdreg s3  }
0x31: {  	s10 =	simm.s32 $0x3;
	[dreg:$0xa] =	wrdreg s1;
	s1 =	sshll.u32 s19, $0x8  }
0x32: {  	s19 =	simm.s32 $0x5;
	s3 =	simm.s32 $0x0;
	[smem:$0x7FD] =	sst s1  }
.LBB2_1:
0x33: {  	[smem:$0x7F9] =	sst s3  }
0x34: {  	s0 =	rddreg [dreg:$0x1];
	s22 =	simm.s32 $0x10  }
0x35: {  	[tilespmem:s28], [sflag:$0x10] =	stream.linear.gather [hbm4b:s0+s5], $0x2000, $0x38;
	[tilespmem:$0x1C280] =	vst v63  }
0x36: {  	_ =	swait.ge [sflag:s22], $0x2000  }
0x37: {  	[sflag:s22] =	ssyncset.done $0x0  }
0x38: {  	[sflag:s22] =	ssyncadd.s32 $0xFFFFE000  }
0x39: {  	s28 =	simm.s32 $0x2280;
	s26 =	rddreg [dreg:$0x2]  }
0x3a: {  	[tilespmem:s28], [sflag:$0x10] =	stream.linear.gather [hbm4b:s26+s5], $0x2000, $0x38;
	[tilespmem:$0x1C280] =	vst v63  }
0x3b: {  	s3 =	sadd.s32 $0x0, s1;
	s26 =	sand.u32 $0x3F, s5  }
0x3c: {  	p0 =	seq.s32 s3, $0x0;
	p1 =	sne.s32 s26, $0x0  }
0x3d: {  	p0 =	por !p0, !p1  }
0x3e: {  	s14 =	simm.s32 $0x1;
	p0 =	por !p0, !p0  }
0x3f: {  	s0 =	sshrl.u32 s3, $0x6;
	_ =	swait.ge [sflag:s22], $0x2000;
	s14 =	simm.s32 @!p0 $0x0  }
0x40: {  	[sflag:s22] =	ssyncset.done $0x0;
	s0 =	ssub.s32 s0, s14  }
0x41: {  	[sflag:s22] =	ssyncadd.s32 $0xFFFFE000;
	s14 =	sshll.u32 s0, $0x9;
	s0 =	sshll.u32 s26, $0x7  }
0x42: {  	s28 =	sshra.s32 s14, $0x2;
	v1 =	vld [tilespmem:s0+$0x2280]  }
0x43: {  	v2 =	vld [tilespmem:s28+$0x280];
	_ =	sdelay $0x4  }
0x44: {  	v1 =	vadd.f32 v1, v2  }
0x45: {  	s14 =	simm.s32 $0x42C0  }
0x46: {  	[tilespmem:s14+$0xFFFFFFC0] =	vst v1  }
0x47: {  	v1 =	vld [tilespmem:s28+$0x290]  }
0x48: {  	v2 =	vld [tilespmem:s0+$0x2290];
	_ =	sdelay $0x4  }
0x49: {  	v1 =	vadd.f32 v2, v1;
	_ =	sdelay $0x1  }
0x4a: {  	[tilespmem:s14+$0xFFFFFFD0] =	vst v1  }
0x4b: {  	v1 =	vld [tilespmem:s28+$0x2A0]  }
0x4c: {  	v2 =	vld [tilespmem:s0+$0x22A0];
	_ =	sdelay $0x4  }
0x4d: {  	v1 =	vadd.f32 v2, v1;
	_ =	sdelay $0x1  }
0x4e: {  	[tilespmem:s14+$0xFFFFFFE0] =	vst v1  }
0x4f: {  	v1 =	vld [tilespmem:s28+$0x2B0]  }
0x50: {  	v2 =	vld [tilespmem:s0+$0x22B0];
	_ =	sdelay $0x4  }
0x51: {  	v1 =	vadd.f32 v2, v1;
	_ =	sdelay $0x1  }
0x52: {  	[tilespmem:s14+$0xFFFFFFF0] =	vst v1  }
0x53: {  	v1 =	vld [tilespmem:s28+$0x2C0]  }
0x54: {  	v2 =	vld [tilespmem:s0+$0x22C0];
	_ =	sdelay $0x4  }
0x55: {  	v1 =	vadd.f32 v2, v1;
	_ =	sdelay $0x1  }
0x56: {  	[tilespmem:s14+$0x0] =	vst v1  }
0x57: {  	v1 =	vld [tilespmem:s28+$0x2D0]  }
0x58: {  	v2 =	vld [tilespmem:s0+$0x22D0];
	_ =	sdelay $0x4  }
0x59: {  	v1 =	vadd.f32 v2, v1;
	_ =	sdelay $0x1  }
0x5a: {  	[tilespmem:s14+$0x10] =	vst v1  }
0x5b: {  	v1 =	vld [tilespmem:s28+$0x2E0]  }
0x5c: {  	v2 =	vld [tilespmem:s0+$0x22E0];
	_ =	sdelay $0x4  }
0x5d: {  	v1 =	vadd.f32 v2, v1;
	_ =	sdelay $0x1  }
0x5e: {  	[tilespmem:s14+$0x20] =	vst v1  }
0x5f: {  	s22 =	simm.s32 $0x1;
	s26 =	simm.s32 $0x42C0;
	v1 =	vld [tilespmem:s28+$0x2F0]  }
.LBB2_2:
0x60: {  	p0 =	sne.s32 s22, $0x7F  }
0x61: {  	v2 =	vld [tilespmem:s0+$0x22F0];
	s14 =	sadd.s32 $0x80, s14;
	s0 =	smov.u32 s22;
	s22 =	sadd.s32 $0x1, s22  }
0x62: {  	s3 =	sadd.s32 s0, s1;
	s0 =	sand.u32 $0x3F, s0  }
0x63: {  	p1 =	seq.s32 s3, $0x0;
	p2 =	sne.s32 s0, $0x0  }
0x64: {  	p1 =	por !p1, !p2  }
0x65: {  	s28 =	simm.s32 $0x1;
	p1 =	por !p1, !p1  }
0x66: {  	s3 =	sshrl.u32 s3, $0x6;
	s28 =	simm.s32 @!p1 $0x0;
	v1 =	vadd.f32 v2, v1  }
0x67: {  	s3 =	ssub.s32 s3, s28  }
0x68: {  	s0 =	sshll.u32 s0, $0x7;
	s3 =	sshll.u32 s3, $0x9;
	[tilespmem:s26+$0x30] =	vst v1;
	s26 =	smov.u32 s14  }
0x69: {  	s3 =	sshra.s32 s3, $0x2;
	v1 =	vld [tilespmem:s0+$0x2280]  }
0x6a: {  	v2 =	vld [tilespmem:s3+$0x280];
	_ =	sdelay $0x4  }
0x6b: {  	v1 =	vadd.f32 v1, v2;
	_ =	sdelay $0x1  }
0x6c: {  	[tilespmem:s14+$0xFFFFFFC0] =	vst v1  }
0x6d: {  	v1 =	vld [tilespmem:s3+$0x290]  }
0x6e: {  	v2 =	vld [tilespmem:s0+$0x2290];
	_ =	sdelay $0x4  }
0x6f: {  	v1 =	vadd.f32 v2, v1;
	_ =	sdelay $0x1  }
0x70: {  	[tilespmem:s14+$0xFFFFFFD0] =	vst v1  }
0x71: {  	v1 =	vld [tilespmem:s3+$0x2A0]  }
0x72: {  	v2 =	vld [tilespmem:s0+$0x22A0];
	_ =	sdelay $0x4  }
0x73: {  	v1 =	vadd.f32 v2, v1;
	_ =	sdelay $0x1  }
0x74: {  	[tilespmem:s14+$0xFFFFFFE0] =	vst v1  }
0x75: {  	v1 =	vld [tilespmem:s3+$0x2B0]  }
0x76: {  	v2 =	vld [tilespmem:s0+$0x22B0];
	_ =	sdelay $0x4  }
0x77: {  	v1 =	vadd.f32 v2, v1;
	_ =	sdelay $0x1  }
0x78: {  	[tilespmem:s14+$0xFFFFFFF0] =	vst v1  }
0x79: {  	v1 =	vld [tilespmem:s3+$0x2C0]  }
0x7a: {  	v2 =	vld [tilespmem:s0+$0x22C0];
	_ =	sdelay $0x4  }
0x7b: {  	v1 =	vadd.f32 v2, v1;
	_ =	sdelay $0x1  }
0x7c: {  	[tilespmem:s14+$0x0] =	vst v1  }
0x7d: {  	v1 =	vld [tilespmem:s3+$0x2D0]  }
0x7e: {  	v2 =	vld [tilespmem:s0+$0x22D0];
	_ =	sdelay $0x4  }
0x7f: {  	v1 =	vadd.f32 v2, v1;
	_ =	sdelay $0x1  }
0x80: {  	[tilespmem:s14+$0x10] =	vst v1  }
0x81: {  	v1 =	vld [tilespmem:s3+$0x2E0]  }
0x82: {  	v2 =	vld [tilespmem:s0+$0x22E0];
	_ =	sdelay $0x3  }
.Ltmp0:
0x83: {  	(pc) =	sbr.rel @p0 .LBB2_2-.Ltmp0, $3  }
0x84: {  	v1 =	vadd.f32 v2, v1;
	_ =	sdelay $0x1  }
0x85: {  	[tilespmem:s14+$0x20] =	vst v1  }
0x86: {  	v1 =	vld [tilespmem:s3+$0x2F0]  }
0x87: {  	v2 =	vld [tilespmem:s0+$0x22F0];
	_ =	sdelay $0x4  }
0x88: {  	v1 =	vadd.f32 v2, v1;
	_ =	sdelay $0x1  }
0x89: {  	s22 =	rddreg [dreg:$0x1b];
	s1 =	simm.s32 $0x4280;
	[tilespmem:s26+$0x30] =	vst v1;
	s26 =	simm.s32 $0x10  }
0x8a: {  	[spmem:s22] =	stream.linear.scatter [tilespmem:s1], [sflag:$0x10], $0x4000, $0x38;
	[tilespmem:$0x1C280] =	vst v63  }
0x8b: {  	_ =	swait.ge [sflag:s26], $0x4000  }
0x8c: {  	s28 =	simm.s32 $0x0;
	[sflag:s26] =	ssyncset.done $0x0  }
0x8d: {  	s3 =	sand.u32 $0x80, s28;
	[sflag:s26] =	ssyncadd.s32 $0xFFFFC000  }
0x8e: {  	s0 =	sand.u32 $0x1F80, s28;
	v1 =	vld.idx.msk [tilespmem:v0+s3+$0x100 ss:$0x1], $0xffff  }
0x8f: {  	v2 =	vld [tilespmem:s0+$0x2280];
	_ =	sdelay $0x4  }
0x90: {  	v1 =	vadd.f32 v2, v1  }
0x91: {  	s14 =	simm.s32 $0x42C0  }
0x92: {  	[tilespmem:s14+$0xFFFFFFC0] =	vst v1  }
0x93: {  	v1 =	vld.idx.msk [tilespmem:v0+s3+$0x110 ss:$0x1], $0xffff  }
0x94: {  	v2 =	vld [tilespmem:s0+$0x2290];
	_ =	sdelay $0x4  }
0x95: {  	v1 =	vadd.f32 v2, v1;
	_ =	sdelay $0x1  }
0x96: {  	[tilespmem:s14+$0xFFFFFFD0] =	vst v1  }
0x97: {  	v1 =	vld.idx.msk [tilespmem:v0+s3+$0x120 ss:$0x1], $0xffff  }
0x98: {  	v2 =	vld [tilespmem:s0+$0x22A0];
	_ =	sdelay $0x4  }
0x99: {  	v1 =	vadd.f32 v2, v1;
	_ =	sdelay $0x1  }
0x9a: {  	[tilespmem:s14+$0xFFFFFFE0] =	vst v1  }
0x9b: {  	v1 =	vld.idx.msk [tilespmem:v0+s3+$0x130 ss:$0x1], $0xffff  }
0x9c: {  	v2 =	vld [tilespmem:s0+$0x22B0];
	_ =	sdelay $0x4  }
0x9d: {  	v1 =	vadd.f32 v2, v1;
	_ =	sdelay $0x1  }
0x9e: {  	[tilespmem:s14+$0xFFFFFFF0] =	vst v1  }
0x9f: {  	v1 =	vld.idx.msk [tilespmem:v0+s3+$0x140 ss:$0x1], $0xffff  }
0xa0: {  	v2 =	vld [tilespmem:s0+$0x22C0];
	_ =	sdelay $0x4  }
0xa1: {  	v1 =	vadd.f32 v2, v1;
	_ =	sdelay $0x1  }
0xa2: {  	[tilespmem:s14+$0x0] =	vst v1  }
0xa3: {  	v1 =	vld.idx.msk [tilespmem:v0+s3+$0x150 ss:$0x1], $0xffff  }
0xa4: {  	v2 =	vld [tilespmem:s0+$0x22D0];
	_ =	sdelay $0x4  }
0xa5: {  	v1 =	vadd.f32 v2, v1;
	_ =	sdelay $0x1  }
0xa6: {  	[tilespmem:s14+$0x10] =	vst v1  }
0xa7: {  	v1 =	vld.idx.msk [tilespmem:v0+s3+$0x160 ss:$0x1], $0xffff  }
0xa8: {  	v2 =	vld [tilespmem:s0+$0x22E0];
	_ =	sdelay $0x4  }
0xa9: {  	v1 =	vadd.f32 v2, v1;
	_ =	sdelay $0x1  }
0xaa: {  	[tilespmem:s14+$0x20] =	vst v1  }
0xab: {  	v1 =	vld.idx.msk [tilespmem:v0+s3+$0x170 ss:$0x1], $0xffff  }
0xac: {  	v2 =	vld [tilespmem:s0+$0x22F0];
	_ =	sdelay $0x4  }
0xad: {  	v1 =	vadd.f32 v2, v1  }
0xae: {  	s22 =	simm.s32 $0x100;
	s26 =	simm.s32 $0x2;
	s0 =	simm.s32 $0x80  }
.LBB2_4:
0xaf: {  	p0 =	sne.s32 s22, $0x3F80;
	s28 =	sand.u32 $0x80, s26;
	[tilespmem:s14+$0x30] =	vst v1;
	s14 =	sadd.s32 $0x80, s14  }
0xb0: {  	s3 =	sand.u32 $0x1F80, s0;
	s0 =	smov.u32 s22;
	s22 =	sadd.s32 $0x80, s22;
	v1 =	vld.idx.msk [tilespmem:v0+s28+$0x100 ss:$0x1], $0xffff  }
0xb1: {  	v2 =	vld [tilespmem:s3+$0x2280];
	_ =	sdelay $0x4  }
0xb2: {  	v1 =	vadd.f32 v2, v1;
	_ =	sdelay $0x1  }
0xb3: {  	[tilespmem:s14+$0xFFFFFFC0] =	vst v1  }
0xb4: {  	v1 =	vld.idx.msk [tilespmem:v0+s28+$0x110 ss:$0x1], $0xffff  }
0xb5: {  	v2 =	vld [tilespmem:s3+$0x2290];
	_ =	sdelay $0x4  }
0xb6: {  	v1 =	vadd.f32 v2, v1;
	_ =	sdelay $0x1  }
0xb7: {  	[tilespmem:s14+$0xFFFFFFD0] =	vst v1  }
0xb8: {  	v1 =	vld.idx.msk [tilespmem:v0+s28+$0x120 ss:$0x1], $0xffff  }
0xb9: {  	v2 =	vld [tilespmem:s3+$0x22A0];
	_ =	sdelay $0x4  }
0xba: {  	v1 =	vadd.f32 v2, v1;
	_ =	sdelay $0x1  }
0xbb: {  	[tilespmem:s14+$0xFFFFFFE0] =	vst v1  }
0xbc: {  	v1 =	vld.idx.msk [tilespmem:v0+s28+$0x130 ss:$0x1], $0xffff  }
0xbd: {  	v2 =	vld [tilespmem:s3+$0x22B0];
	_ =	sdelay $0x4  }
0xbe: {  	v1 =	vadd.f32 v2, v1;
	_ =	sdelay $0x1  }
0xbf: {  	[tilespmem:s14+$0xFFFFFFF0] =	vst v1  }
0xc0: {  	v1 =	vld.idx.msk [tilespmem:v0+s28+$0x140 ss:$0x1], $0xffff  }
0xc1: {  	v2 =	vld [tilespmem:s3+$0x22C0];
	_ =	sdelay $0x4  }
0xc2: {  	v1 =	vadd.f32 v2, v1;
	_ =	sdelay $0x1  }
0xc3: {  	[tilespmem:s14+$0x0] =	vst v1  }
0xc4: {  	v1 =	vld.idx.msk [tilespmem:v0+s28+$0x150 ss:$0x1], $0xffff  }
0xc5: {  	v2 =	vld [tilespmem:s3+$0x22D0];
	_ =	sdelay $0x4  }
0xc6: {  	v1 =	vadd.f32 v2, v1;
	_ =	sdelay $0x1  }
0xc7: {  	[tilespmem:s14+$0x10] =	vst v1  }
0xc8: {  	v1 =	vld.idx.msk [tilespmem:v0+s28+$0x160 ss:$0x1], $0xffff  }
0xc9: {  	v2 =	vld [tilespmem:s3+$0x22E0];
	_ =	sdelay $0x4  }
0xca: {  	v1 =	vadd.f32 v2, v1;
	_ =	sdelay $0x1  }
0xcb: {  	[tilespmem:s14+$0x20] =	vst v1  }
0xcc: {  	v1 =	vld.idx.msk [tilespmem:v0+s28+$0x170 ss:$0x1], $0xffff  }
0xcd: {  	v2 =	vld [tilespmem:s3+$0x22F0];
	_ =	sdelay $0x1  }
.Ltmp1:
0xce: {  	(pc) =	sbr.rel @p0 .LBB2_4-.Ltmp1, $3  }
0xcf: {  	_ =	sdelay $0x1  }
0xd0: {  	v1 =	vadd.f32 v2, v1  }
0xd1: {  	s26 =	sadd.s32 $0x2, s26  }
0xd2: {  	_ =	sdelay $0x2  }
0xd3: {  	s3 =	sand.u32 $0x80, s26;
	[tilespmem:s14+$0x30] =	vst v1  }
0xd4: {  	s0 =	sand.u32 $0x1F80, s0;
	v1 =	vld.idx.msk [tilespmem:v0+s3+$0x100 ss:$0x1], $0xffff  }
0xd5: {  	v2 =	vld [tilespmem:s0+$0x2280];
	_ =	sdelay $0x4  }
0xd6: {  	v1 =	vadd.f32 v2, v1  }
0xd7: {  	s22 =	sadd.s32 $0x80, s14  }
0xd8: {  	[tilespmem:s22+$0xFFFFFFC0] =	vst v1  }
0xd9: {  	v1 =	vld.idx.msk [tilespmem:v0+s3+$0x110 ss:$0x1], $0xffff  }
0xda: {  	v2 =	vld [tilespmem:s0+$0x2290];
	_ =	sdelay $0x4  }
0xdb: {  	v1 =	vadd.f32 v2, v1;
	_ =	sdelay $0x1  }
0xdc: {  	[tilespmem:s22+$0xFFFFFFD0] =	vst v1  }
0xdd: {  	v1 =	vld.idx.msk [tilespmem:v0+s3+$0x120 ss:$0x1], $0xffff  }
0xde: {  	v2 =	vld [tilespmem:s0+$0x22A0];
	_ =	sdelay $0x4  }
0xdf: {  	v1 =	vadd.f32 v2, v1;
	_ =	sdelay $0x1  }
0xe0: {  	[tilespmem:s22+$0xFFFFFFE0] =	vst v1  }
0xe1: {  	v1 =	vld.idx.msk [tilespmem:v0+s3+$0x130 ss:$0x1], $0xffff  }
0xe2: {  	v2 =	vld [tilespmem:s0+$0x22B0];
	_ =	sdelay $0x4  }
0xe3: {  	v1 =	vadd.f32 v2, v1;
	_ =	sdelay $0x1  }
0xe4: {  	[tilespmem:s22+$0xFFFFFFF0] =	vst v1  }
0xe5: {  	v1 =	vld.idx.msk [tilespmem:v0+s3+$0x140 ss:$0x1], $0xffff  }
0xe6: {  	v2 =	vld [tilespmem:s0+$0x22C0];
	_ =	sdelay $0x4  }
0xe7: {  	v1 =	vadd.f32 v2, v1;
	_ =	sdelay $0x1  }
0xe8: {  	[tilespmem:s22+$0x0] =	vst v1  }
0xe9: {  	v1 =	vld.idx.msk [tilespmem:v0+s3+$0x150 ss:$0x1], $0xffff  }
0xea: {  	v2 =	vld [tilespmem:s0+$0x22D0];
	_ =	sdelay $0x4  }
0xeb: {  	v1 =	vadd.f32 v2, v1;
	_ =	sdelay $0x1  }
0xec: {  	[tilespmem:s22+$0x10] =	vst v1  }
0xed: {  	v1 =	vld.idx.msk [tilespmem:v0+s3+$0x160 ss:$0x1], $0xffff  }
0xee: {  	v2 =	vld [tilespmem:s0+$0x22E0];
	_ =	sdelay $0x4  }
0xef: {  	v1 =	vadd.f32 v2, v1;
	_ =	sdelay $0x1  }
0xf0: {  	[tilespmem:s22+$0x20] =	vst v1  }
0xf1: {  	v1 =	vld.idx.msk [tilespmem:v0+s3+$0x170 ss:$0x1], $0xffff  }
0xf2: {  	v2 =	vld [tilespmem:s0+$0x22F0];
	_ =	sdelay $0x4  }
0xf3: {  	s26 =	sld [smem:$0x7FA];
	v1 =	vadd.f32 v2, v1;
	_ =	sdelay $0x1  }
0xf4: {  	s1 =	simm.s32 $0x4280;
	s3 =	simm.s32 $0x10;
	[tilespmem:s22+$0x30] =	vst v1  }
0xf5: {  	[spmem:s26] =	stream.linear.scatter [tilespmem:s1], [sflag:$0x10], $0x4000, $0x38;
	[tilespmem:$0x1C280] =	vst v63  }
0xf6: {  	_ =	swait.ge [sflag:s3], $0x4000  }
0xf7: {  	[sflag:s3] =	ssyncset.done $0x0  }
0xf8: {  	[sflag:s3] =	ssyncadd.s32 $0xFFFFC000  }
0xf9: {  	[bflag:$0x0] =	sbarrier.arrive $0xFFFF  }
0xfa: {  	s0 =	simm.s32 $0x0;
	s14 =	rddreg [dreg:$0x13]  }
0xfb: {  	[tilespmem:s0], [sflag:$0x1] =	stream.linear.gather [hbm4b:s14+s0], $0x80, $0x38;
	[tilespmem:$0x1C280] =	vst v63  }
0xfc: {  	s22 =	rddreg [dreg:$0x14]  }
0xfd: {  	[tilespmem:s6], [sflag:$0x2] =	stream.linear.gather [hbm4b:s22+s0], $0x80, $0x38;
	[tilespmem:$0x1C280] =	vst v63  }
0xfe: {  	_ =	swait.ge [sflag:s2], $0x80  }
0xff: {  	[sflag:s2] =	ssyncset.done $0x0  }
0x100: {  	s28 =	simm.s32 $0x280;
	[sflag:s2] =	ssyncadd.s32 $0xFFFFFF80  }
0x101: {  	[tilespmem:s28], [sflag:$0x6] =	stream.indirect.gather [spmem:s4], $0x80, s0, s6, $0xb8;
	[tilespmem:$0x1C280] =	vst v63  }
0x102: {  	_ =	swait.ge [sflag:s7], $0x80  }
0x103: {  	[sflag:s7] =	ssyncset.done $0x0  }
0x104: {  	[sflag:s7] =	ssyncadd.s32 $0xFFFFFF80  }
0x105: {  	[tilespmem:s1], [sflag:$0x7] =	stream.indirect.gather [spmem:s4], $0x80, s6, s6, $0xb8;
	[tilespmem:$0x1C280] =	vst v63  }
0x106: {  	_ =	swait.ge [sflag:s8], $0x4000  }
0x107: {  	[sflag:s8] =	ssyncset.done $0x0  }
0x108: {  	s26 =	rddreg [dreg:$0xb];
	[sflag:s8] =	ssyncadd.s32 $0xFFFFC000  }
0x109: {  	[hbm4b:s26+s0] =	stream.linear.scatter [tilespmem:s28], [sflag:$0xB], $0x4000, $0x38;
	[tilespmem:$0x1C280] =	vst v63  }
0x10a: {  	s14 =	rddreg [dreg:$0x15]  }
0x10b: {  	[tilespmem:s9], [sflag:$0x3] =	stream.linear.gather [hbm4b:s14+s0], $0x80, $0x38;
	[tilespmem:$0x1C280] =	vst v63  }
0x10c: {  	_ =	swait.ge [sflag:s10], $0x80  }
0x10d: {  	[sflag:s10] =	ssyncset.done $0x0  }
0x10e: {  	[sflag:s10] =	ssyncadd.s32 $0xFFFFFF80  }
0x10f: {  	[tilespmem:s11], [sflag:$0x8] =	stream.indirect.gather [spmem:s4], $0x80, s9, s6, $0xb8;
	[tilespmem:$0x1C280] =	vst v63  }
0x110: {  	_ =	swait.ge [sflag:s12], $0x4000  }
0x111: {  	[sflag:s12] =	ssyncset.done $0x0  }
0x112: {  	s22 =	rddreg [dreg:$0xc];
	[sflag:s12] =	ssyncadd.s32 $0xFFFFC000  }
0x113: {  	[hbm4b:s22+s0] =	stream.linear.scatter [tilespmem:s1], [sflag:$0xC], $0x4000, $0x38;
	[tilespmem:$0x1C280] =	vst v63  }
0x114: {  	s26 =	rddreg [dreg:$0x16]  }
0x115: {  	[tilespmem:s13], [sflag:$0x4] =	stream.linear.gather [hbm4b:s26+s0], $0x80, $0x38;
	[tilespmem:$0x1C280] =	vst v63  }
0x116: {  	_ =	swait.ge [sflag:s15], $0x80  }
0x117: {  	[sflag:s15] =	ssyncset.done $0x0  }
0x118: {  	[sflag:s15] =	ssyncadd.s32 $0xFFFFFF80  }
0x119: {  	[tilespmem:s16], [sflag:$0x9] =	stream.indirect.gather [spmem:s4], $0x80, s13, s6, $0xb8;
	[tilespmem:$0x1C280] =	vst v63  }
0x11a: {  	_ =	swait.ge [sflag:s17], $0x4000  }
0x11b: {  	[sflag:s17] =	ssyncset.done $0x0;
	s1 =	rddreg [dreg:$0xd]  }
0x11c: {  	s3 =	sld [smem:$0x7FB];
	[sflag:s17] =	ssyncadd.s32 $0xFFFFC000  }
0x11d: {  	[hbm4b:s1+s0] =	stream.linear.scatter [tilespmem:s11], [sflag:$0xD], $0x4000, $0x38;
	[tilespmem:$0x1C280] =	vst v63  }
0x11e: {  	_ = 	snop  }
0x11f: {  	[tilespmem:s18], [sflag:$0x5] =	stream.linear.gather [hbm4b:s3+s0], $0x80, $0x38;
	[tilespmem:$0x1C280] =	vst v63  }
0x120: {  	_ =	swait.ge [sflag:s19], $0x80  }
0x121: {  	[sflag:s19] =	ssyncset.done $0x0  }
0x122: {  	[sflag:s19] =	ssyncadd.s32 $0xFFFFFF80  }
0x123: {  	[tilespmem:s20], [sflag:$0xA] =	stream.indirect.gather [spmem:s4], $0x80, s18, s6, $0xb8;
	[tilespmem:$0x1C280] =	vst v63  }
0x124: {  	_ =	swait.ge [sflag:s21], $0x4000  }
0x125: {  	[sflag:s21] =	ssyncset.done $0x0;
	s14 =	rddreg [dreg:$0xe]  }
0x126: {  	s22 =	sld [smem:$0x7FC];
	[sflag:s21] =	ssyncadd.s32 $0xFFFFC000  }
0x127: {  	[hbm4b:s14+s0] =	stream.linear.scatter [tilespmem:s16], [sflag:$0xE], $0x4000, $0x38;
	[tilespmem:$0x1C280] =	vst v63  }
0x128: {  	_ = 	snop  }
0x129: {  	[tilespmem:s0], [sflag:$0x1] =	stream.linear.gather [hbm4b:s22+s0], $0x80, $0x38;
	[tilespmem:$0x1C280] =	vst v63  }
0x12a: {  	_ =	swait.ge [sflag:s2], $0x80  }
0x12b: {  	[sflag:s2] =	ssyncset.done $0x0  }
0x12c: {  	[sflag:s2] =	ssyncadd.s32 $0xFFFFFF80  }
0x12d: {  	_ =	swait.ge [sflag:s23], $0x4000  }
0x12e: {  	[sflag:s23] =	ssyncset.done $0x0  }
0x12f: {  	[sflag:s23] =	ssyncadd.s32 $0xFFFFC000  }
0x130: {  	[tilespmem:s28], [sflag:$0x6] =	stream.indirect.gather [spmem:s4], $0x80, s5, s6, $0xb8;
	[tilespmem:$0x1C280] =	vst v63  }
0x131: {  	_ =	swait.ge [sflag:s24], $0x4000  }
0x132: {  	[sflag:s24] =	ssyncset.done $0x0;
	s22 =	rddreg [dreg:$0x1f]  }
0x133: {  	s26 =	rddreg [dreg:$0xa];
	[sflag:s24] =	ssyncadd.s32 $0xFFFFC000;
	s14 =	sadd.s32 $0xFFFFE000, s22  }
0x134: {  	[hbm4b:s14+s5] =	stream.linear.scatter [tilespmem:s20], [sflag:$0xF], $0x4000, $0x38;
	[tilespmem:$0x1C280] =	vst v63  }
0x135: {  	s0 =	sadd.s32 $0x0, s26  }
0x136: {  	[tilespmem:s6], [sflag:$0x2] =	stream.linear.gather [hbm4b:s0+s5], $0x80, $0x38;
	[tilespmem:$0x1C280] =	vst v63  }
0x137: {  	_ =	swait.ge [sflag:s7], $0x80  }
0x138: {  	[sflag:s7] =	ssyncset.done $0x0  }
0x139: {  	[sflag:s7] =	ssyncadd.s32 $0xFFFFFF80  }
0x13a: {  	_ =	swait.ge [sflag:s25], $0x4000  }
0x13b: {  	[sflag:s25] =	ssyncset.done $0x0  }
0x13c: {  	s1 =	simm.s32 $0x4280;
	[sflag:s25] =	ssyncadd.s32 $0xFFFFC000  }
0x13d: {  	[tilespmem:s1], [sflag:$0x7] =	stream.indirect.gather [spmem:s4], $0x80, s6, s6, $0xb8;
	[tilespmem:$0x1C280] =	vst v63  }
0x13e: {  	_ =	swait.ge [sflag:s8], $0x4000  }
0x13f: {  	[sflag:s8] =	ssyncset.done $0x0  }
0x140: {  	s14 =	sadd.s32 $0xFFFFE800, s22;
	s26 =	rddreg [dreg:$0x9];
	[sflag:s8] =	ssyncadd.s32 $0xFFFFC000  }
0x141: {  	[hbm4b:s14+s5] =	stream.linear.scatter [tilespmem:s28], [sflag:$0xB], $0x4000, $0x38;
	[tilespmem:$0x1C280] =	vst v63  }
0x142: {  	s0 =	sadd.s32 $0x0, s26  }
0x143: {  	[tilespmem:s9], [sflag:$0x3] =	stream.linear.gather [hbm4b:s0+s5], $0x80, $0x38;
	[tilespmem:$0x1C280] =	vst v63  }
0x144: {  	_ =	swait.ge [sflag:s10], $0x80  }
0x145: {  	[sflag:s10] =	ssyncset.done $0x0  }
0x146: {  	[sflag:s10] =	ssyncadd.s32 $0xFFFFFF80  }
0x147: {  	_ =	swait.ge [sflag:s29], $0x4000  }
0x148: {  	[sflag:s29] =	ssyncset.done $0x0  }
0x149: {  	[sflag:s29] =	ssyncadd.s32 $0xFFFFC000  }
0x14a: {  	[tilespmem:s11], [sflag:$0x8] =	stream.indirect.gather [spmem:s4], $0x80, s9, s6, $0xb8;
	[tilespmem:$0x1C280] =	vst v63  }
0x14b: {  	_ =	swait.ge [sflag:s12], $0x4000  }
0x14c: {  	[sflag:s12] =	ssyncset.done $0x0  }
0x14d: {  	s14 =	sadd.s32 $0xFFFFF000, s22;
	s26 =	rddreg [dreg:$0x8];
	[sflag:s12] =	ssyncadd.s32 $0xFFFFC000  }
0x14e: {  	[hbm4b:s14+s5] =	stream.linear.scatter [tilespmem:s1], [sflag:$0xC], $0x4000, $0x38;
	[tilespmem:$0x1C280] =	vst v63  }
0x14f: {  	s0 =	sadd.s32 $0x0, s26  }
0x150: {  	[tilespmem:s13], [sflag:$0x4] =	stream.linear.gather [hbm4b:s0+s5], $0x80, $0x38;
	[tilespmem:$0x1C280] =	vst v63  }
0x151: {  	_ =	swait.ge [sflag:s15], $0x80  }
0x152: {  	[sflag:s15] =	ssyncset.done $0x0  }
0x153: {  	[sflag:s15] =	ssyncadd.s32 $0xFFFFFF80  }
0x154: {  	_ =	swait.ge [sflag:s30], $0x4000  }
0x155: {  	[sflag:s30] =	ssyncset.done $0x0  }
0x156: {  	[sflag:s30] =	ssyncadd.s32 $0xFFFFC000  }
0x157: {  	[tilespmem:s16], [sflag:$0x9] =	stream.indirect.gather [spmem:s4], $0x80, s13, s6, $0xb8;
	[tilespmem:$0x1C280] =	vst v63  }
0x158: {  	_ =	swait.ge [sflag:s17], $0x4000  }
0x159: {  	[sflag:s17] =	ssyncset.done $0x0  }
0x15a: {  	s14 =	sadd.s32 $0xFFFFF800, s22;
	s26 =	rddreg [dreg:$0x7];
	[sflag:s17] =	ssyncadd.s32 $0xFFFFC000  }
0x15b: {  	[hbm4b:s14+s5] =	stream.linear.scatter [tilespmem:s11], [sflag:$0xD], $0x4000, $0x38;
	[tilespmem:$0x1C280] =	vst v63  }
0x15c: {  	s0 =	sadd.s32 $0x0, s26  }
0x15d: {  	[tilespmem:s18], [sflag:$0x5] =	stream.linear.gather [hbm4b:s0+s5], $0x80, $0x38;
	[tilespmem:$0x1C280] =	vst v63  }
0x15e: {  	_ =	swait.ge [sflag:s19], $0x80  }
0x15f: {  	[sflag:s19] =	ssyncset.done $0x0  }
0x160: {  	[sflag:s19] =	ssyncadd.s32 $0xFFFFFF80  }
0x161: {  	_ =	swait.ge [sflag:s31], $0x4000  }
0x162: {  	[sflag:s31] =	ssyncset.done $0x0  }
0x163: {  	[sflag:s31] =	ssyncadd.s32 $0xFFFFC000  }
0x164: {  	[tilespmem:s20], [sflag:$0xA] =	stream.indirect.gather [spmem:s4], $0x80, s18, s6, $0xb8;
	[tilespmem:$0x1C280] =	vst v63  }
0x165: {  	_ =	swait.ge [sflag:s21], $0x4000  }
0x166: {  	s14 =	simm.s32 $0x50;
	[sflag:s21] =	ssyncset.done $0x0;
	s26 =	rddreg [dreg:$0x6]  }
0x167: {  	[sflag:s21] =	ssyncadd.s32 $0xFFFFC000;
	s0 =	sadd.s32 $0x0, s26;
	s26 =	sadd.s32 $0x2800, s22  }
0x168: {  	[hbm4b:s22+s5] =	stream.linear.scatter [tilespmem:s16], [sflag:$0xE], $0x4000, $0x38;
	[tilespmem:$0x1C280] =	vst v63  }
.LBB2_6:
0x169: {  	[tilespmem:s5], [sflag:$0x1] =	stream.linear.gather [hbm4b:s0+s5], $0x80, $0x38;
	[tilespmem:$0x1C280] =	vst v63  }
0x16a: {  	_ =	swait.ge [sflag:s2], $0x80  }
0x16b: {  	[sflag:s2] =	ssyncset.done $0x0  }
0x16c: {  	[sflag:s2] =	ssyncadd.s32 $0xFFFFFF80  }
0x16d: {  	_ =	swait.ge [sflag:s23], $0x4000  }
0x16e: {  	[sflag:s23] =	ssyncset.done $0x0  }
0x16f: {  	[sflag:s23] =	ssyncadd.s32 $0xFFFFC000  }
0x170: {  	[tilespmem:s28], [sflag:$0x6] =	stream.indirect.gather [spmem:s4], $0x80, s5, s6, $0xb8;
	[tilespmem:$0x1C280] =	vst v63  }
0x171: {  	_ =	swait.ge [sflag:s24], $0x4000  }
0x172: {  	s0 =	smov.u32 s14;
	[sflag:s24] =	ssyncset.done $0x0  }
0x173: {  	s22 =	sadd.s32 $0xFFFFE000, s26;
	s3 =	rddreg [dreg:$0xa];
	[sflag:s24] =	ssyncadd.s32 $0xFFFFC000  }
0x174: {  	[hbm4b:s22+s5] =	stream.linear.scatter [tilespmem:s20], [sflag:$0xF], $0x4000, $0x38;
	[tilespmem:$0x1C280] =	vst v63  }
0x175: {  	s3 =	sadd.s32 s0, s3  }
0x176: {  	[tilespmem:s6], [sflag:$0x2] =	stream.linear.gather [hbm4b:s3+s5], $0x80, $0x38;
	[tilespmem:$0x1C280] =	vst v63  }
0x177: {  	_ =	swait.ge [sflag:s7], $0x80  }
0x178: {  	[sflag:s7] =	ssyncset.done $0x0  }
0x179: {  	[sflag:s7] =	ssyncadd.s32 $0xFFFFFF80  }
0x17a: {  	_ =	swait.ge [sflag:s25], $0x4000  }
0x17b: {  	[sflag:s25] =	ssyncset.done $0x0  }
0x17c: {  	[sflag:s25] =	ssyncadd.s32 $0xFFFFC000  }
0x17d: {  	[tilespmem:s1], [sflag:$0x7] =	stream.indirect.gather [spmem:s4], $0x80, s6, s6, $0xb8;
	[tilespmem:$0x1C280] =	vst v63  }
0x17e: {  	_ =	swait.ge [sflag:s8], $0x4000  }
0x17f: {  	[sflag:s8] =	ssyncset.done $0x0  }
0x180: {  	s22 =	sadd.s32 $0xFFFFE800, s26;
	s3 =	rddreg [dreg:$0x9];
	[sflag:s8] =	ssyncadd.s32 $0xFFFFC000  }
0x181: {  	[hbm4b:s22+s5] =	stream.linear.scatter [tilespmem:s28], [sflag:$0xB], $0x4000, $0x38;
	[tilespmem:$0x1C280] =	vst v63  }
0x182: {  	s3 =	sadd.s32 s0, s3  }
0x183: {  	[tilespmem:s9], [sflag:$0x3] =	stream.linear.gather [hbm4b:s3+s5], $0x80, $0x38;
	[tilespmem:$0x1C280] =	vst v63  }
0x184: {  	_ =	swait.ge [sflag:s10], $0x80  }
0x185: {  	[sflag:s10] =	ssyncset.done $0x0  }
0x186: {  	[sflag:s10] =	ssyncadd.s32 $0xFFFFFF80  }
0x187: {  	_ =	swait.ge [sflag:s29], $0x4000  }
0x188: {  	[sflag:s29] =	ssyncset.done $0x0  }
0x189: {  	[sflag:s29] =	ssyncadd.s32 $0xFFFFC000  }
0x18a: {  	[tilespmem:s11], [sflag:$0x8] =	stream.indirect.gather [spmem:s4], $0x80, s9, s6, $0xb8;
	[tilespmem:$0x1C280] =	vst v63  }
0x18b: {  	_ =	swait.ge [sflag:s12], $0x4000  }
0x18c: {  	[sflag:s12] =	ssyncset.done $0x0  }
0x18d: {  	s22 =	sadd.s32 $0xFFFFF000, s26;
	s3 =	rddreg [dreg:$0x8];
	[sflag:s12] =	ssyncadd.s32 $0xFFFFC000  }
0x18e: {  	[hbm4b:s22+s5] =	stream.linear.scatter [tilespmem:s1], [sflag:$0xC], $0x4000, $0x38;
	[tilespmem:$0x1C280] =	vst v63  }
0x18f: {  	s3 =	sadd.s32 s0, s3  }
0x190: {  	[tilespmem:s13], [sflag:$0x4] =	stream.linear.gather [hbm4b:s3+s5], $0x80, $0x38;
	[tilespmem:$0x1C280] =	vst v63  }
0x191: {  	_ =	swait.ge [sflag:s15], $0x80  }
0x192: {  	[sflag:s15] =	ssyncset.done $0x0  }
0x193: {  	[sflag:s15] =	ssyncadd.s32 $0xFFFFFF80  }
0x194: {  	_ =	swait.ge [sflag:s30], $0x4000  }
0x195: {  	[sflag:s30] =	ssyncset.done $0x0  }
0x196: {  	[sflag:s30] =	ssyncadd.s32 $0xFFFFC000  }
0x197: {  	[tilespmem:s16], [sflag:$0x9] =	stream.indirect.gather [spmem:s4], $0x80, s13, s6, $0xb8;
	[tilespmem:$0x1C280] =	vst v63  }
0x198: {  	_ =	swait.ge [sflag:s17], $0x4000  }
0x199: {  	[sflag:s17] =	ssyncset.done $0x0  }
0x19a: {  	s22 =	sadd.s32 $0xFFFFF800, s26;
	s3 =	rddreg [dreg:$0x7];
	[sflag:s17] =	ssyncadd.s32 $0xFFFFC000  }
0x19b: {  	[hbm4b:s22+s5] =	stream.linear.scatter [tilespmem:s11], [sflag:$0xD], $0x4000, $0x38;
	[tilespmem:$0x1C280] =	vst v63  }
0x19c: {  	s3 =	sadd.s32 s0, s3  }
0x19d: {  	[tilespmem:s18], [sflag:$0x5] =	stream.linear.gather [hbm4b:s3+s5], $0x80, $0x38;
	[tilespmem:$0x1C280] =	vst v63  }
0x19e: {  	_ =	swait.ge [sflag:s19], $0x80  }
0x19f: {  	[sflag:s19] =	ssyncset.done $0x0  }
0x1a0: {  	[sflag:s19] =	ssyncadd.s32 $0xFFFFFF80  }
0x1a1: {  	_ =	swait.ge [sflag:s31], $0x4000  }
0x1a2: {  	[sflag:s31] =	ssyncset.done $0x0  }
0x1a3: {  	p0 =	sne.s32 s14, $0x3110;
	[sflag:s31] =	ssyncadd.s32 $0xFFFFC000  }
0x1a4: {  	[tilespmem:s20], [sflag:$0xA] =	stream.indirect.gather [spmem:s4], $0x80, s18, s6, $0xb8;
	[tilespmem:$0x1C280] =	vst v63  }
.Ltmp2:
0x1a5: {  	_ =	swait.ge [sflag:s21], $0x4000;
	(pc) =	sbr.rel @p0 .LBB2_6-.Ltmp2, $4  }
0x1a6: {  	[sflag:s21] =	ssyncset.done $0x0  }
0x1a7: {  	s22 =	rddreg [dreg:$0x6];
	[sflag:s21] =	ssyncadd.s32 $0xFFFFC000  }
0x1a8: {  	[hbm4b:s26+s5] =	stream.linear.scatter [tilespmem:s16], [sflag:$0xE], $0x4000, $0x38;
	[tilespmem:$0x1C280] =	vst v63  }
0x1a9: {  	s14 =	sadd.s32 $0x50, s14;
	s0 =	sadd.s32 s0, s22;
	s26 =	sadd.s32 $0x2800, s26  }
0x1aa: {  	[tilespmem:s5], [sflag:$0x1] =	stream.linear.gather [hbm4b:s0+s5], $0x80, $0x38;
	[tilespmem:$0x1C280] =	vst v63  }
0x1ab: {  	_ =	swait.ge [sflag:s2], $0x80  }
0x1ac: {  	[sflag:s2] =	ssyncset.done $0x0  }
0x1ad: {  	[sflag:s2] =	ssyncadd.s32 $0xFFFFFF80  }
0x1ae: {  	_ =	swait.ge [sflag:s23], $0x4000  }
0x1af: {  	[sflag:s23] =	ssyncset.done $0x0  }
0x1b0: {  	[sflag:s23] =	ssyncadd.s32 $0xFFFFC000  }
0x1b1: {  	[tilespmem:s28], [sflag:$0x6] =	stream.indirect.gather [spmem:s4], $0x80, s5, s6, $0xb8;
	[tilespmem:$0x1C280] =	vst v63  }
0x1b2: {  	_ =	swait.ge [sflag:s24], $0x4000  }
0x1b3: {  	[sflag:s24] =	ssyncset.done $0x0  }
0x1b4: {  	s22 =	rddreg [dreg:$0x1c];
	[sflag:s24] =	ssyncadd.s32 $0xFFFFC000  }
0x1b5: {  	[hbm4b:s22+s5] =	stream.linear.scatter [tilespmem:s20], [sflag:$0xF], $0x4000, $0x38;
	[tilespmem:$0x1C280] =	vst v63  }
0x1b6: {  	s26 =	rddreg [dreg:$0x17]  }
0x1b7: {  	[tilespmem:s6], [sflag:$0x2] =	stream.linear.gather [hbm4b:s26+s5], $0x80, $0x38;
	[tilespmem:$0x1C280] =	vst v63  }
0x1b8: {  	_ =	swait.ge [sflag:s7], $0x80  }
0x1b9: {  	[sflag:s7] =	ssyncset.done $0x0  }
0x1ba: {  	[sflag:s7] =	ssyncadd.s32 $0xFFFFFF80  }
0x1bb: {  	_ =	swait.ge [sflag:s25], $0x4000  }
0x1bc: {  	[sflag:s25] =	ssyncset.done $0x0  }
0x1bd: {  	[sflag:s25] =	ssyncadd.s32 $0xFFFFC000  }
0x1be: {  	[tilespmem:s1], [sflag:$0x7] =	stream.indirect.gather [spmem:s4], $0x80, s6, s6, $0xb8;
	[tilespmem:$0x1C280] =	vst v63  }
0x1bf: {  	_ =	swait.ge [sflag:s8], $0x4000  }
0x1c0: {  	[sflag:s8] =	ssyncset.done $0x0  }
0x1c1: {  	s3 =	rddreg [dreg:$0x1d];
	[sflag:s8] =	ssyncadd.s32 $0xFFFFC000  }
0x1c2: {  	[hbm4b:s3+s5] =	stream.linear.scatter [tilespmem:s28], [sflag:$0xB], $0x4000, $0x38;
	[tilespmem:$0x1C280] =	vst v63  }
0x1c3: {  	s14 =	rddreg [dreg:$0x18]  }
0x1c4: {  	[tilespmem:s9], [sflag:$0x3] =	stream.linear.gather [hbm4b:s14+s5], $0x80, $0x38;
	[tilespmem:$0x1C280] =	vst v63  }
0x1c5: {  	_ =	swait.ge [sflag:s10], $0x80  }
0x1c6: {  	[sflag:s10] =	ssyncset.done $0x0  }
0x1c7: {  	[sflag:s10] =	ssyncadd.s32 $0xFFFFFF80  }
0x1c8: {  	_ =	swait.ge [sflag:s29], $0x4000  }
0x1c9: {  	[sflag:s29] =	ssyncset.done $0x0  }
0x1ca: {  	[sflag:s29] =	ssyncadd.s32 $0xFFFFC000  }
0x1cb: {  	[tilespmem:s11], [sflag:$0x8] =	stream.indirect.gather [spmem:s4], $0x80, s9, s6, $0xb8;
	[tilespmem:$0x1C280] =	vst v63  }
0x1cc: {  	_ =	swait.ge [sflag:s12], $0x4000  }
0x1cd: {  	[sflag:s12] =	ssyncset.done $0x0  }
0x1ce: {  	s22 =	rddreg [dreg:$0xf];
	[sflag:s12] =	ssyncadd.s32 $0xFFFFC000  }
0x1cf: {  	[hbm4b:s22+s5] =	stream.linear.scatter [tilespmem:s1], [sflag:$0xC], $0x4000, $0x38;
	[tilespmem:$0x1C280] =	vst v63  }
0x1d0: {  	s26 =	rddreg [dreg:$0x19]  }
0x1d1: {  	[tilespmem:s13], [sflag:$0x4] =	stream.linear.gather [hbm4b:s26+s5], $0x80, $0x38;
	[tilespmem:$0x1C280] =	vst v63  }
0x1d2: {  	_ =	swait.ge [sflag:s15], $0x80  }
0x1d3: {  	[sflag:s15] =	ssyncset.done $0x0  }
0x1d4: {  	[sflag:s15] =	ssyncadd.s32 $0xFFFFFF80  }
0x1d5: {  	_ =	swait.ge [sflag:s30], $0x4000  }
0x1d6: {  	[sflag:s30] =	ssyncset.done $0x0  }
0x1d7: {  	[sflag:s30] =	ssyncadd.s32 $0xFFFFC000  }
0x1d8: {  	[tilespmem:s16], [sflag:$0x9] =	stream.indirect.gather [spmem:s4], $0x80, s13, s6, $0xb8;
	[tilespmem:$0x1C280] =	vst v63  }
0x1d9: {  	_ =	swait.ge [sflag:s17], $0x4000  }
0x1da: {  	[sflag:s17] =	ssyncset.done $0x0  }
0x1db: {  	s1 =	rddreg [dreg:$0x10];
	[sflag:s17] =	ssyncadd.s32 $0xFFFFC000  }
0x1dc: {  	[hbm4b:s1+s5] =	stream.linear.scatter [tilespmem:s11], [sflag:$0xD], $0x4000, $0x38;
	[tilespmem:$0x1C280] =	vst v63  }
0x1dd: {  	s3 =	rddreg [dreg:$0x1a]  }
0x1de: {  	[tilespmem:s18], [sflag:$0x5] =	stream.linear.gather [hbm4b:s3+s5], $0x80, $0x38;
	[tilespmem:$0x1C280] =	vst v63  }
0x1df: {  	_ =	swait.ge [sflag:s19], $0x80  }
0x1e0: {  	[sflag:s19] =	ssyncset.done $0x0  }
0x1e1: {  	[sflag:s19] =	ssyncadd.s32 $0xFFFFFF80  }
0x1e2: {  	_ =	swait.ge [sflag:s31], $0x4000  }
0x1e3: {  	[sflag:s31] =	ssyncset.done $0x0  }
0x1e4: {  	[sflag:s31] =	ssyncadd.s32 $0xFFFFC000  }
0x1e5: {  	[tilespmem:s20], [sflag:$0xA] =	stream.indirect.gather [spmem:s4], $0x80, s18, s6, $0xb8;
	[tilespmem:$0x1C280] =	vst v63  }
0x1e6: {  	_ =	swait.ge [sflag:s21], $0x4000  }
0x1e7: {  	[sflag:s21] =	ssyncset.done $0x0  }
0x1e8: {  	s14 =	rddreg [dreg:$0x11];
	[sflag:s21] =	ssyncadd.s32 $0xFFFFC000  }
0x1e9: {  	[hbm4b:s14+s5] =	stream.linear.scatter [tilespmem:s16], [sflag:$0xE], $0x4000, $0x38;
	[tilespmem:$0x1C280] =	vst v63  }
0x1ea: {  	_ =	swait.ge [sflag:s24], $0x4000  }
0x1eb: {  	[sflag:s24] =	ssyncset.done $0x0  }
0x1ec: {  	s22 =	rddreg [dreg:$0x12];
	[sflag:s24] =	ssyncadd.s32 $0xFFFFC000  }
0x1ed: {  	[hbm4b:s22+s5] =	stream.linear.scatter [tilespmem:s20], [sflag:$0xF], $0x4000, $0x38;
	[tilespmem:$0x1C280] =	vst v63  }
0x1ee: {  	_ =	swait.ge [sflag:s23], $0x4000  }
0x1ef: {  	[sflag:s23] =	ssyncset.done $0x0  }
0x1f0: {  	[sflag:s23] =	ssyncadd.s32 $0xFFFFC000  }
0x1f1: {  	_ =	swait.ge [sflag:s25], $0x4000  }
0x1f2: {  	[sflag:s25] =	ssyncset.done $0x0  }
0x1f3: {  	[sflag:s25] =	ssyncadd.s32 $0xFFFFC000  }
0x1f4: {  	_ =	swait.ge [sflag:s29], $0x4000  }
0x1f5: {  	[sflag:s29] =	ssyncset.done $0x0  }
0x1f6: {  	[sflag:s29] =	ssyncadd.s32 $0xFFFFC000  }
0x1f7: {  	_ =	swait.ge [sflag:s30], $0x4000  }
0x1f8: {  	[sflag:s30] =	ssyncset.done $0x0  }
0x1f9: {  	[sflag:s30] =	ssyncadd.s32 $0xFFFFC000  }
0x1fa: {  	_ =	swait.ge [sflag:s31], $0x4000  }
0x1fb: {  	s3 =	sld [smem:$0x7F9];
	_ =	sdelay $0x2  }
0x1fc: {  	s26 =	rddreg [dreg:$0x1e];
	s3 =	sadd.s32 $0x1, s3  }
0x1fd: {  	p0 =	sne.s32 s3, s26  }
.Ltmp3:
0x1fe: {  	_ = 	snop;
	(pc) =	sbr.rel @p0 .LBB2_1-.Ltmp3, $3  }
0x1ff: {  	_ =	sdelay $0x1  }
0x200: {  	[sflag:s31] =	ssyncset.done $0x0  }
0x201: {  	s1 =	sld [smem:$0x7FD];
	[sflag:s31] =	ssyncadd.s32 $0xFFFFC000  }
0x202: {  	_ =	sfence.sel $0x180000  }
0x203: {  	[bflag:$0x0] =	sbarrier.arrive $0xFFFF  }
0x204: {  	_ =	strace $0x90000047  }
0x205: {  	s0 =	stileid.u32;
	[bflag:$0x2] =	sbarrier.arrive $0xFFFF  }
0x206: {  	p0 =	sne.s32 s0, $0x0;
	s0 =	rddreg [dreg:$0x5]  }
0x207: {  	s0 =	sadd.s32 @!p0 $0x100000, s0  }
0x208: {  	[sflag:s0] =	ssyncadd.tile.s32 @!p0 $0x1;
	_ =	shalt  }
.Lfunc_end2:
_tile_overlayer_lowered:
.L_overlay_start_2:
0x209: {  	(tag) =	ssettag $0x2  }
0x20a: {  	s0 =	rddreg [dreg:$0x0];
	s2 =	stileid.u32  }
0x20b: {  	s1 =	rddreg [dreg:$0x1];
	p0 =	sne.s32 s2, $0x0  }
0x20c: {  	s3 =	rddreg [dreg:$0x2];
	[bflag:$0x3] =	sbarrier.arrive $0xFFFF;
	s2 =	simm.s32 @!p0 $0x1C10  }
0x20d: {  	[timem:s3], [sflag:s2] =	dma.local @!p0 [hbm:s0], s1  }
0x20e: {  	s0 =	simm.s32 @!p0 $0x10  }
0x20f: {  	_ =	swait.ge @!p0 [sflag:s0], s1  }
0x210: {  	s1 =	ssub.s32 @!p0 $0x0, s1;
	[sflag:s0] =	ssyncset.done @!p0 $0x0  }
0x211: {  	[sflag:s0] =	ssyncadd.s32 @!p0 s1  }
0x212: {  	[bflag:$0x3] =	sbarrier.arrive $0xFFFF  }
0x213: {  	_ =	shalt  }

</sc_bundles>
